<compile_context>
chip_gen: v7x
topology: tpu7x:2x2x1
jax: 0.10.2.dev20260603
libtpu: 0.0.44.dev20260713+nightly
codegen_flags: <defaults>
</compile_context>

<pallas_src>
import functools

import jax
import jax.numpy as jnp
from jax import lax
from jax.experimental import pallas as pl
from jax.experimental.pallas import tpu as pltpu
from jax.experimental.pallas import tpu_sc as plsc

_N = 10000
_E = 320000
_F = 128
_H = 64
_C = 4

_CH = 125
_CPT = 80
_NBUF = 4
_NT = 32
_R = 10112
_RP = _R // 2
_DW = 8

_mesh = plsc.VectorSubcoreMesh(core_axis_name="c", subcore_axis_name="s")



@functools.partial(
    pl.kernel,
    out_type=jax.ShapeDtypeStruct((2, _R, _DW), jnp.float32),
    mesh=_mesh,
    scratch_types=[
        pltpu.VMEM((_CPT, _CH), jnp.int32),
        pltpu.VMEM((_CH, _DW), jnp.float32),
        pltpu.VMEM_SHARED((_R, _DW), jnp.float32),
        pltpu.SemaphoreType.DMA,
    ],
)
def _sc_degree(ei_hbm, ones_hbm, zeros_hbm, out_hbm, dst_v, ones_v, acc_sh,
               sem):
    c = lax.axis_index("c")
    s = lax.axis_index("s")
    gid = c * 16 + s
    pltpu.sync_copy(ei_hbm.at[1].at[gid], dst_v)
    pltpu.sync_copy(ones_hbm, ones_v)

    @pl.when(s == 0)
    def _():
        pltpu.sync_copy(zeros_hbm, acc_sh)

    plsc.subcore_barrier()

    _K = 8

    def step(j, carry):
        pltpu.async_copy(ones_v, acc_sh.at[dst_v.at[j]], sem, add=True)

        @pl.when(j >= _K)
        def _():
            pltpu.make_async_copy(ones_v, acc_sh.at[dst_v.at[0]], sem).wait()

        return carry

    lax.fori_loop(0, _CPT, step, 0)

    def drain(j, carry):
        pltpu.make_async_copy(ones_v, acc_sh.at[dst_v.at[0]], sem).wait()
        return carry

    lax.fori_loop(0, _K, drain, 0)
    plsc.subcore_barrier()

    @pl.when(s == 0)
    def _():
        pltpu.sync_copy(acc_sh, out_hbm.at[c])


@functools.partial(
    pl.kernel,
    out_type=jax.ShapeDtypeStruct((2, _R, _H), jnp.float32),
    mesh=_mesh,
    compiler_params=pltpu.CompilerParams(use_tc_tiling_on_sc=False),
    scratch_types=[
        pltpu.VMEM((_CPT, _CH), jnp.int32),
        pltpu.VMEM((_CPT, _CH), jnp.int32),
        pltpu.VMEM((_NBUF, _CH, _H), jnp.float32),
        pltpu.VMEM_SHARED((_R, _H), jnp.float32),
        [pltpu.SemaphoreType.DMA] * _NBUF,
        [pltpu.SemaphoreType.DMA] * _NBUF,
    ],
)
def _sc_scatter(table_hbm, ei_hbm, zeros_hbm, out_hbm,
                src_v, dst_v, rows_v, acc_sh, gsems, ssems):
    c = lax.axis_index("c")
    s = lax.axis_index("s")
    gid = c * 16 + s
    pltpu.sync_copy(ei_hbm.at[0].at[gid], src_v)
    pltpu.sync_copy(ei_hbm.at[1].at[gid], dst_v)

    @pl.when(s == 0)
    def _():
        pltpu.sync_copy(zeros_hbm, acc_sh)

    plsc.subcore_barrier()

    def fire_gather(j, b):
        pltpu.async_copy(table_hbm.at[src_v.at[j]], rows_v.at[b], gsems[b])

    for b in range(_NBUF):
        fire_gather(b, b)

    def outer(step, carry):
        for b in range(_NBUF):
            j = step * _NBUF + b
            pltpu.make_async_copy(
                table_hbm.at[src_v.at[j]], rows_v.at[b], gsems[b]).wait()
            pltpu.async_copy(rows_v.at[b], acc_sh.at[dst_v.at[j]], ssems[b],
                             add=True)
            pltpu.make_async_copy(
                rows_v.at[b], acc_sh.at[dst_v.at[j]], ssems[b]).wait()
            nj = j + _NBUF

            @pl.when(nj < _CPT)
            def _():
                fire_gather(nj, b)

        return carry

    lax.fori_loop(0, _CPT // _NBUF, outer, 0)
    plsc.subcore_barrier()

    @pl.when(s == 0)
    def _():
        pltpu.sync_copy(acc_sh, out_hbm.at[c])



def _norm_packed(degt):
    d = degt[0] + degt[1]
    i0 = lax.broadcasted_iota(jnp.int32, (16, 2), 0)
    i1 = lax.broadcasted_iota(jnp.int32, (16, 2), 1)
    sel = (i0 == i1 * _DW).astype(jnp.float32)
    deg2 = jnp.dot(d, sel, preferred_element_type=jnp.float32) + 1.0
    r0 = lax.broadcasted_iota(jnp.int32, (_RP, 2), 0)
    r1 = lax.broadcasted_iota(jnp.int32, (_RP, 2), 1)
    node = 2 * r0 + r1
    norm2 = jnp.where(node < _N, lax.rsqrt(deg2), 0.0)
    j0 = lax.broadcasted_iota(jnp.int32, (2, 128), 0)
    j1 = lax.broadcasted_iota(jnp.int32, (2, 128), 1)
    rep = (j0 == j1 // _H).astype(jnp.float32)
    return jnp.dot(norm2, rep, preferred_element_type=jnp.float32)


def _tc_matmul1_body(x_ref, w_ref, b_ref, t_ref):
    t_ref[...] = jnp.dot(x_ref[...], w_ref[...],
                         preferred_element_type=jnp.float32) + b_ref[...]


def _tc_matmul1(x_packed, W1bd, b1p):
    return pl.pallas_call(
        _tc_matmul1_body,
        out_shape=jax.ShapeDtypeStruct((_RP, 128), jnp.float32),
    )(x_packed, W1bd, b1p)


def _tc_scale_body(t_ref, degt_ref, g_ref):
    g_ref[...] = t_ref[...] * _norm_packed(degt_ref)


def _tc_scale(t1, degt):
    return pl.pallas_call(
        _tc_scale_body,
        out_shape=jax.ShapeDtypeStruct((_RP, 128), jnp.float32),
    )(t1, degt)


def _tc_layer2_body(acc_ref, g1_ref, degt_ref, w_ref, b_ref, g2_ref):
    np_ = _norm_packed(degt_ref)
    h1 = jnp.maximum((acc_ref[0] + acc_ref[1] + g1_ref[...]) * np_, 0.0)
    hw = jnp.dot(h1, w_ref[...], preferred_element_type=jnp.float32)
    g2_ref[...] = (hw + b_ref[...]) * np_


def _tc_layer2(acc1p, g1p, degt, W2bd, b2p):
    return pl.pallas_call(
        _tc_layer2_body,
        out_shape=jax.ShapeDtypeStruct((_RP, 128), jnp.float32),
    )(acc1p, g1p, degt, W2bd, b2p)


def _tc_head_body(acc_ref, g2_ref, degt_ref, wd_ref, bd_ref, out_ref):
    np_ = _norm_packed(degt_ref)
    h2 = jnp.maximum((acc_ref[0] + acc_ref[1] + g2_ref[...]) * np_, 0.0)
    pooled = jnp.sum(h2, axis=0, keepdims=True)
    logits = jnp.dot(pooled, wd_ref[...],
                     preferred_element_type=jnp.float32) + bd_ref[...]
    m = jnp.max(logits, axis=-1, keepdims=True)
    e = jnp.exp(logits - m)
    out_ref[...] = e / jnp.sum(e, axis=-1, keepdims=True)


def _tc_head(acc2p, g2p, degt, Wd_fold, bd_pad):
    return pl.pallas_call(
        _tc_head_body,
        out_shape=jax.ShapeDtypeStruct((1, 128), jnp.float32),
    )(acc2p, g2p, degt, Wd_fold, bd_pad)



def kernel(x, edge_index, W1, b1, W2, b2, Wd, bd):
    ei = edge_index.astype(jnp.int32).reshape(2, _NT, _CPT, _CH)
    x_packed = jnp.pad(x, ((0, _R - _N), (0, 0))).reshape(_RP, 2 * _F)
    zeros64 = jnp.zeros((_R, _H), jnp.float32)
    zeros8 = jnp.zeros((_R, _DW), jnp.float32)
    ones8 = jnp.ones((_CH, _DW), jnp.float32)
    W1bd = jnp.zeros((2 * _F, 128), jnp.float32)
    W1bd = W1bd.at[:_F, :_H].set(W1).at[_F:, _H:].set(W1)
    W2bd = jnp.zeros((128, 128), jnp.float32)
    W2bd = W2bd.at[:_H, :_H].set(W2).at[_H:, _H:].set(W2)
    b1p = jnp.concatenate([b1, b1]).reshape(1, 128)
    b2p = jnp.concatenate([b2, b2]).reshape(1, 128)
    Wd_pad = jnp.zeros((_H, 128), jnp.float32).at[:, :_C].set(Wd)
    Wd_fold = jnp.concatenate([Wd_pad, Wd_pad], axis=0)
    bd_pad = jnp.full((1, 128), -1e30, jnp.float32).at[0, :_C].set(bd)

    degp = _sc_degree(ei, ones8, zeros8)
    t1 = _tc_matmul1(x_packed, W1bd, b1p)
    degt = degp.reshape(2, _RP, 2 * _DW)
    g1p = _tc_scale(t1, degt)
    g1 = g1p.reshape(_R, _H)
    acc1 = _sc_scatter(g1, ei, zeros64)
    acc1p = acc1.reshape(2, _RP, 128)
    g2p = _tc_layer2(acc1p, g1p, degt, W2bd, b2p)
    g2 = g2p.reshape(_R, _H)
    acc2 = _sc_scatter(g2, ei, zeros64)
    acc2p = acc2.reshape(2, _RP, 128)
    out = _tc_head(acc2p, g2p, degt, Wd_fold, bd_pad)
    return out[:, :_C]

# --- scband reference (transcript-rebuilt; emitter-appended) ---
"""Pipeline reference for scband-gnn-node-classifier-12472585027649 (READ-ONLY COPY).

The authoritative reference and input builder live on the scoring server;
editing this copy changes nothing except your own understanding.
"""

import jax, jax.numpy as jnp
import numpy as np

N = 10000
E = 320000
F = 128
H = 64
C = 4


def setup_inputs(seed: int = 0) -> dict:
    key = jax.random.key(seed)
    ks = jax.random.split(key, 9)
    x = jax.random.normal(ks[0], (N, F), dtype=jnp.float32)
    edge_index = jax.random.randint(ks[1], (2, E), 0, N)
    W1 = jax.random.normal(ks[2], (F, H), dtype=jnp.float32) * (1.0 / np.sqrt(F))
    b1 = jnp.zeros((H,), dtype=jnp.float32)
    W2 = jax.random.normal(ks[3], (H, H), dtype=jnp.float32) * (1.0 / np.sqrt(H))
    b2 = jnp.zeros((H,), dtype=jnp.float32)
    Wd = jax.random.normal(ks[4], (H, C), dtype=jnp.float32) * (1.0 / np.sqrt(H))
    bd = jnp.zeros((C,), dtype=jnp.float32)
    return {"x": x, "edge_index": edge_index, "W1": W1, "b1": b1, "W2": W2, "b2": b2, "Wd": Wd, "bd": bd}


def reference(x, edge_index, W1, b1, W2, b2, Wd, bd):
    src = edge_index[0]
    dst = edge_index[1]
    loop = jnp.arange(N, dtype=src.dtype)
    src2 = jnp.concatenate([src, loop], axis=0)
    dst2 = jnp.concatenate([dst, loop], axis=0)
    # GCN symmetric normalization on A + I
    deg = jax.ops.segment_sum(jnp.ones_like(dst2, dtype=jnp.float32), dst2, num_segments=N)
    norm = jax.lax.rsqrt(jnp.maximum(deg, 1.0))
    coef = (norm[src2] * norm[dst2])[:, None]

    def gcn_layer(h, W, b):
        h = h @ W + b
        msg = jnp.take(h, src2, axis=0) * coef
        agg = jax.ops.segment_sum(msg, dst2, num_segments=N)
        return jax.nn.relu(agg)

    h = gcn_layer(x, W1, b1)
    h = gcn_layer(h, W2, b2)
    pooled = jnp.sum(h, axis=0, keepdims=True)  # GlobalSumPool over all nodes
    logits = pooled @ Wd + bd
    return jax.nn.softmax(logits, axis=-1)

if __name__ == "__main__":
    import jax
    _d = setup_inputs()
    print(jax.jit(kernel)(*tuple(_d.values())))

</pallas_src>

<mosaic_0001>
#map = affine_map<(d0, d1) -> (0, 0)>
#map1 = affine_map<(d0, d1) -> (0, 0, 0, 0)>
#map2 = affine_map<(d0, d1) -> (0, 0, 0)>
module attributes {stable_mosaic.version = 14 : i64} {
  func.func @_sc_scatter(%arg0: i32, %arg1: i32, %arg2: memref<10112x64xf32, #tpu.memory_space<hbm>>, %arg3: memref<2x32x80x125xi32, #tpu.memory_space<hbm>>, %arg4: memref<10112x64xf32, #tpu.memory_space<hbm>>, %arg5: memref<2x10112x64xf32, #tpu.memory_space<hbm>>, %arg6: memref<80x125xi32, #tpu.memory_space<vmem>>, %arg7: memref<80x125xi32, #tpu.memory_space<vmem>>, %arg8: memref<4x125x64xf32, #tpu.memory_space<vmem>>, %arg9: memref<10112x64xf32, #tpu.memory_space<vmem_shared>>, %arg10: memref<!tpu.dma_semaphore, #tpu.memory_space<semaphore_mem>>, %arg11: memref<!tpu.dma_semaphore, #tpu.memory_space<semaphore_mem>>, %arg12: memref<!tpu.dma_semaphore, #tpu.memory_space<semaphore_mem>>, %arg13: memref<!tpu.dma_semaphore, #tpu.memory_space<semaphore_mem>>, %arg14: memref<!tpu.dma_semaphore, #tpu.memory_space<semaphore_mem>>, %arg15: memref<!tpu.dma_semaphore, #tpu.memory_space<semaphore_mem>>, %arg16: memref<!tpu.dma_semaphore, #tpu.memory_space<semaphore_mem>>, %arg17: memref<!tpu.dma_semaphore, #tpu.memory_space<semaphore_mem>>) attributes {dimension_semantics = [#tpu.dimension_semantics<core_parallel>, #tpu.dimension_semantics<subcore_parallel>], iteration_bounds = array<i64: 2, 16>, scalar_prefetch = 0 : i64, scratch_operands = 12 : i64, tpu.core_type = #tpu.core_type<sc_vector_subcore>, window_params = [{transform_indices = #map}, {transform_indices = #map1}, {transform_indices = #map}, {transform_indices = #map2}]} {
    %mul3A = arith.constant 16 : i32
    %mul3A_0 = arith.muli %arg0, %mul3A : i32
    %add3A = arith.addi %mul3A_0, %arg1 : i32
    %run_scoped3A = arith.constant 0 : i32
    "tpu.region"() ({
      %run_scoped3A_62 = tpu.sem_alloc : memref<!tpu.dma_semaphore, #tpu.memory_space<semaphore_mem>>
      %dma_start3A_63 = arith.constant 0 : i32
      %dma_start3A_64 = arith.constant 0 : i32
      %dma_start3A_65 = arith.constant 0 : i32
      %dma_start3A_66 = tpu.memref_slice %arg3[%run_scoped3A, %dma_start3A_63, %dma_start3A_64, %dma_start3A_65] : memref<2x32x80x125xi32, #tpu.memory_space<hbm>> -> memref<1x32x80x125xi32, #tpu.memory_space<hbm>>
      %dma_start3A_67 = tpu.memref_squeeze %dma_start3A_66 : memref<1x32x80x125xi32, #tpu.memory_space<hbm>> -> memref<32x80x125xi32, #tpu.memory_space<hbm>>
      %dma_start3A_68 = arith.constant 0 : i32
      %dma_start3A_69 = arith.constant 0 : i32
      %dma_start3A_70 = tpu.memref_slice %dma_start3A_67[%add3A, %dma_start3A_68, %dma_start3A_69] : memref<32x80x125xi32, #tpu.memory_space<hbm>> -> memref<1x80x125xi32, #tpu.memory_space<hbm>>
      %dma_start3A_71 = tpu.memref_squeeze %dma_start3A_70 : memref<1x80x125xi32, #tpu.memory_space<hbm>> -> memref<80x125xi32, #tpu.memory_space<hbm>>
      %dma_start3A_72 = arith.constant 0 : i32
      %dma_start3A_73 = arith.constant 0 : i32
      %dma_start3A_74 = arith.constant 0 : i32
      %dma_start3A_75 = tpu.memref_slice %arg3[%run_scoped3A, %dma_start3A_72, %dma_start3A_73, %dma_start3A_74] : memref<2x32x80x125xi32, #tpu.memory_space<hbm>> -> memref<1x32x80x125xi32, #tpu.memory_space<hbm>>
      %dma_start3A_76 = tpu.memref_squeeze %dma_start3A_75 : memref<1x32x80x125xi32, #tpu.memory_space<hbm>> -> memref<32x80x125xi32, #tpu.memory_space<hbm>>
      %dma_start3A_77 = arith.constant 0 : i32
      %dma_start3A_78 = arith.constant 0 : i32
      %dma_start3A_79 = tpu.memref_slice %dma_start3A_76[%add3A, %dma_start3A_77, %dma_start3A_78] : memref<32x80x125xi32, #tpu.memory_space<hbm>> -> memref<1x80x125xi32, #tpu.memory_space<hbm>>
      %dma_start3A_80 = tpu.memref_squeeze %dma_start3A_79 : memref<1x80x125xi32, #tpu.memory_space<hbm>> -> memref<80x125xi32, #tpu.memory_space<hbm>>
      tpu.enqueue_dma source(%dma_start3A_80 : memref<80x125xi32, #tpu.memory_space<hbm>>) target(%arg6 : memref<80x125xi32, #tpu.memory_space<vmem>>) target_semaphore(%run_scoped3A_62 : memref<!tpu.dma_semaphore, #tpu.memory_space<semaphore_mem>>)
      %dma_wait3A = arith.constant 0 : i32
      %dma_wait3A_81 = arith.constant 0 : i32
      %dma_wait3A_82 = arith.constant 0 : i32
      %dma_wait3A_83 = tpu.memref_slice %arg3[%run_scoped3A, %dma_wait3A, %dma_wait3A_81, %dma_wait3A_82] : memref<2x32x80x125xi32, #tpu.memory_space<hbm>> -> memref<1x32x80x125xi32, #tpu.memory_space<hbm>>
      %dma_wait3A_84 = tpu.memref_squeeze %dma_wait3A_83 : memref<1x32x80x125xi32, #tpu.memory_space<hbm>> -> memref<32x80x125xi32, #tpu.memory_space<hbm>>
      %dma_wait3A_85 = arith.constant 0 : i32
      %dma_wait3A_86 = arith.constant 0 : i32
      %dma_wait3A_87 = tpu.memref_slice %dma_wait3A_84[%add3A, %dma_wait3A_85, %dma_wait3A_86] : memref<32x80x125xi32, #tpu.memory_space<hbm>> -> memref<1x80x125xi32, #tpu.memory_space<hbm>>
      %dma_wait3A_88 = tpu.memref_squeeze %dma_wait3A_87 : memref<1x80x125xi32, #tpu.memory_space<hbm>> -> memref<80x125xi32, #tpu.memory_space<hbm>>
      %dma_wait3A_89 = arith.constant 0 : i32
      %dma_wait3A_90 = arith.constant 0 : i32
      %dma_wait3A_91 = arith.constant 0 : i32
      %dma_wait3A_92 = tpu.memref_slice %arg3[%run_scoped3A, %dma_wait3A_89, %dma_wait3A_90, %dma_wait3A_91] : memref<2x32x80x125xi32, #tpu.memory_space<hbm>> -> memref<1x32x80x125xi32, #tpu.memory_space<hbm>>
      %dma_wait3A_93 = tpu.memref_squeeze %dma_wait3A_92 : memref<1x32x80x125xi32, #tpu.memory_space<hbm>> -> memref<32x80x125xi32, #tpu.memory_space<hbm>>
      %dma_wait3A_94 = arith.constant 0 : i32
      %dma_wait3A_95 = arith.constant 0 : i32
      %dma_wait3A_96 = tpu.memref_slice %dma_wait3A_93[%add3A, %dma_wait3A_94, %dma_wait3A_95] : memref<32x80x125xi32, #tpu.memory_space<hbm>> -> memref<1x80x125xi32, #tpu.memory_space<hbm>>
      %dma_wait3A_97 = tpu.memref_squeeze %dma_wait3A_96 : memref<1x80x125xi32, #tpu.memory_space<hbm>> -> memref<80x125xi32, #tpu.memory_space<hbm>>
      tpu.wait_dma2 semaphore(%run_scoped3A_62 : memref<!tpu.dma_semaphore, #tpu.memory_space<semaphore_mem>>) src(%dma_wait3A_97 : memref<80x125xi32, #tpu.memory_space<hbm>>) dst(%arg6 : memref<80x125xi32, #tpu.memory_space<vmem>>)
      tpu.yield
    }) : () -> ()
    %run_scoped3A_1 = arith.constant 1 : i32
    "tpu.region"() ({
      %run_scoped3A_62 = tpu.sem_alloc : memref<!tpu.dma_semaphore, #tpu.memory_space<semaphore_mem>>
      %dma_start3A_63 = arith.constant 0 : i32
      %dma_start3A_64 = arith.constant 0 : i32
      %dma_start3A_65 = arith.constant 0 : i32
      %dma_start3A_66 = tpu.memref_slice %arg3[%run_scoped3A_1, %dma_start3A_63, %dma_start3A_64, %dma_start3A_65] : memref<2x32x80x125xi32, #tpu.memory_space<hbm>> -> memref<1x32x80x125xi32, #tpu.memory_space<hbm>>
      %dma_start3A_67 = tpu.memref_squeeze %dma_start3A_66 : memref<1x32x80x125xi32, #tpu.memory_space<hbm>> -> memref<32x80x125xi32, #tpu.memory_space<hbm>>
      %dma_start3A_68 = arith.constant 0 : i32
      %dma_start3A_69 = arith.constant 0 : i32
      %dma_start3A_70 = tpu.memref_slice %dma_start3A_67[%add3A, %dma_start3A_68, %dma_start3A_69] : memref<32x80x125xi32, #tpu.memory_space<hbm>> -> memref<1x80x125xi32, #tpu.memory_space<hbm>>
      %dma_start3A_71 = tpu.memref_squeeze %dma_start3A_70 : memref<1x80x125xi32, #tpu.memory_space<hbm>> -> memref<80x125xi32, #tpu.memory_space<hbm>>
      %dma_start3A_72 = arith.constant 0 : i32
      %dma_start3A_73 = arith.constant 0 : i32
      %dma_start3A_74 = arith.constant 0 : i32
      %dma_start3A_75 = tpu.memref_slice %arg3[%run_scoped3A_1, %dma_start3A_72, %dma_start3A_73, %dma_start3A_74] : memref<2x32x80x125xi32, #tpu.memory_space<hbm>> -> memref<1x32x80x125xi32, #tpu.memory_space<hbm>>
      %dma_start3A_76 = tpu.memref_squeeze %dma_start3A_75 : memref<1x32x80x125xi32, #tpu.memory_space<hbm>> -> memref<32x80x125xi32, #tpu.memory_space<hbm>>
      %dma_start3A_77 = arith.constant 0 : i32
      %dma_start3A_78 = arith.constant 0 : i32
      %dma_start3A_79 = tpu.memref_slice %dma_start3A_76[%add3A, %dma_start3A_77, %dma_start3A_78] : memref<32x80x125xi32, #tpu.memory_space<hbm>> -> memref<1x80x125xi32, #tpu.memory_space<hbm>>
      %dma_start3A_80 = tpu.memref_squeeze %dma_start3A_79 : memref<1x80x125xi32, #tpu.memory_space<hbm>> -> memref<80x125xi32, #tpu.memory_space<hbm>>
      tpu.enqueue_dma source(%dma_start3A_80 : memref<80x125xi32, #tpu.memory_space<hbm>>) target(%arg7 : memref<80x125xi32, #tpu.memory_space<vmem>>) target_semaphore(%run_scoped3A_62 : memref<!tpu.dma_semaphore, #tpu.memory_space<semaphore_mem>>)
      %dma_wait3A = arith.constant 0 : i32
      %dma_wait3A_81 = arith.constant 0 : i32
      %dma_wait3A_82 = arith.constant 0 : i32
      %dma_wait3A_83 = tpu.memref_slice %arg3[%run_scoped3A_1, %dma_wait3A, %dma_wait3A_81, %dma_wait3A_82] : memref<2x32x80x125xi32, #tpu.memory_space<hbm>> -> memref<1x32x80x125xi32, #tpu.memory_space<hbm>>
      %dma_wait3A_84 = tpu.memref_squeeze %dma_wait3A_83 : memref<1x32x80x125xi32, #tpu.memory_space<hbm>> -> memref<32x80x125xi32, #tpu.memory_space<hbm>>
      %dma_wait3A_85 = arith.constant 0 : i32
      %dma_wait3A_86 = arith.constant 0 : i32
      %dma_wait3A_87 = tpu.memref_slice %dma_wait3A_84[%add3A, %dma_wait3A_85, %dma_wait3A_86] : memref<32x80x125xi32, #tpu.memory_space<hbm>> -> memref<1x80x125xi32, #tpu.memory_space<hbm>>
      %dma_wait3A_88 = tpu.memref_squeeze %dma_wait3A_87 : memref<1x80x125xi32, #tpu.memory_space<hbm>> -> memref<80x125xi32, #tpu.memory_space<hbm>>
      %dma_wait3A_89 = arith.constant 0 : i32
      %dma_wait3A_90 = arith.constant 0 : i32
      %dma_wait3A_91 = arith.constant 0 : i32
      %dma_wait3A_92 = tpu.memref_slice %arg3[%run_scoped3A_1, %dma_wait3A_89, %dma_wait3A_90, %dma_wait3A_91] : memref<2x32x80x125xi32, #tpu.memory_space<hbm>> -> memref<1x32x80x125xi32, #tpu.memory_space<hbm>>
      %dma_wait3A_93 = tpu.memref_squeeze %dma_wait3A_92 : memref<1x32x80x125xi32, #tpu.memory_space<hbm>> -> memref<32x80x125xi32, #tpu.memory_space<hbm>>
      %dma_wait3A_94 = arith.constant 0 : i32
      %dma_wait3A_95 = arith.constant 0 : i32
      %dma_wait3A_96 = tpu.memref_slice %dma_wait3A_93[%add3A, %dma_wait3A_94, %dma_wait3A_95] : memref<32x80x125xi32, #tpu.memory_space<hbm>> -> memref<1x80x125xi32, #tpu.memory_space<hbm>>
      %dma_wait3A_97 = tpu.memref_squeeze %dma_wait3A_96 : memref<1x80x125xi32, #tpu.memory_space<hbm>> -> memref<80x125xi32, #tpu.memory_space<hbm>>
      tpu.wait_dma2 semaphore(%run_scoped3A_62 : memref<!tpu.dma_semaphore, #tpu.memory_space<semaphore_mem>>) src(%dma_wait3A_97 : memref<80x125xi32, #tpu.memory_space<hbm>>) dst(%arg7 : memref<80x125xi32, #tpu.memory_space<vmem>>)
      tpu.yield
    }) : () -> ()
    %eq3A = arith.constant 0 : i32
    %eq3A_2 = arith.cmpi eq, %arg1, %eq3A : i32
    %convert_element_type3A = arith.extui %eq3A_2 : i1 to i32
    %cond3A = arith.constant 0 : i32
    %cond3A_3 = arith.cmpi ne, %convert_element_type3A, %cond3A : i32
    scf.if %cond3A_3 {
      "tpu.region"() ({
        %run_scoped3A_62 = tpu.sem_alloc : memref<!tpu.dma_semaphore, #tpu.memory_space<semaphore_mem>>
        tpu.enqueue_dma source(%arg4 : memref<10112x64xf32, #tpu.memory_space<hbm>>) target(%arg9 : memref<10112x64xf32, #tpu.memory_space<vmem_shared>>) target_semaphore(%run_scoped3A_62 : memref<!tpu.dma_semaphore, #tpu.memory_space<semaphore_mem>>)
        tpu.wait_dma2 semaphore(%run_scoped3A_62 : memref<!tpu.dma_semaphore, #tpu.memory_space<semaphore_mem>>) src(%arg4 : memref<10112x64xf32, #tpu.memory_space<hbm>>) dst(%arg9 : memref<10112x64xf32, #tpu.memory_space<vmem_shared>>)
        tpu.yield
      }) : () -> ()
    } else {
    }
    %barrier3A = arith.constant 0 : index
    tpu.barrier barrier_id(%barrier3A)
    %dma_start3A = arith.constant 0 : i32
    %dma_start3A_4 = arith.constant 0 : i32
    %dma_start3A_5 = arith.constant 0 : i32
    %dma_start3A_6 = arith.constant 0 : i32
    %dma_start3A_7 = tpu.memref_slice %arg8[%dma_start3A_4, %dma_start3A_5, %dma_start3A_6] : memref<4x125x64xf32, #tpu.memory_space<vmem>> -> memref<1x125x64xf32, #tpu.memory_space<vmem>>
    %dma_start3A_8 = tpu.memref_squeeze %dma_start3A_7 : memref<1x125x64xf32, #tpu.memory_space<vmem>> -> memref<125x64xf32, #tpu.memory_space<vmem>>
    %dma_start3A_9 = arith.constant 0 : i32
    %dma_start3A_10 = tpu.memref_slice %arg6[%dma_start3A, %dma_start3A_9] : memref<80x125xi32, #tpu.memory_space<vmem>> -> memref<1x125xi32, #tpu.memory_space<vmem>>
    %dma_start3A_11 = tpu.memref_squeeze %dma_start3A_10 : memref<1x125xi32, #tpu.memory_space<vmem>> -> memref<125xi32, #tpu.memory_space<vmem>>
    %dma_start3A_12 = arith.constant 0 : i32
    %dma_start3A_13 = arith.constant 0 : i32
    %dma_start3A_14 = tpu.memref_slice %arg2[%dma_start3A_12, %dma_start3A_13] : memref<10112x64xf32, #tpu.memory_space<hbm>> -> memref<10112x64xf32, #tpu.memory_space<hbm>>
    tpu.enqueue_indirect_dma source(%dma_start3A_14 : memref<10112x64xf32, #tpu.memory_space<hbm>>) target(%dma_start3A_8 : memref<125x64xf32, #tpu.memory_space<vmem>>) offsets(%dma_start3A_11 : memref<125xi32, #tpu.memory_space<vmem>>) semaphore(%arg10 : memref<!tpu.dma_semaphore, #tpu.memory_space<semaphore_mem>>)
    %dma_start3A_15 = arith.constant 1 : i32
    %dma_start3A_16 = arith.constant 1 : i32
    %dma_start3A_17 = arith.constant 0 : i32
    %dma_start3A_18 = arith.constant 0 : i32
    %dma_start3A_19 = tpu.memref_slice %arg8[%dma_start3A_16, %dma_start3A_17, %dma_start3A_18] : memref<4x125x64xf32, #tpu.memory_space<vmem>> -> memref<1x125x64xf32, #tpu.memory_space<vmem>>
    %dma_start3A_20 = tpu.memref_squeeze %dma_start3A_19 : memref<1x125x64xf32, #tpu.memory_space<vmem>> -> memref<125x64xf32, #tpu.memory_space<vmem>>
    %dma_start3A_21 = arith.constant 0 : i32
    %dma_start3A_22 = tpu.memref_slice %arg6[%dma_start3A_15, %dma_start3A_21] : memref<80x125xi32, #tpu.memory_space<vmem>> -> memref<1x125xi32, #tpu.memory_space<vmem>>
    %dma_start3A_23 = tpu.memref_squeeze %dma_start3A_22 : memref<1x125xi32, #tpu.memory_space<vmem>> -> memref<125xi32, #tpu.memory_space<vmem>>
    %dma_start3A_24 = arith.constant 0 : i32
    %dma_start3A_25 = arith.constant 0 : i32
    %dma_start3A_26 = tpu.memref_slice %arg2[%dma_start3A_24, %dma_start3A_25] : memref<10112x64xf32, #tpu.memory_space<hbm>> -> memref<10112x64xf32, #tpu.memory_space<hbm>>
    tpu.enqueue_indirect_dma source(%dma_start3A_26 : memref<10112x64xf32, #tpu.memory_space<hbm>>) target(%dma_start3A_20 : memref<125x64xf32, #tpu.memory_space<vmem>>) offsets(%dma_start3A_23 : memref<125xi32, #tpu.memory_space<vmem>>) semaphore(%arg11 : memref<!tpu.dma_semaphore, #tpu.memory_space<semaphore_mem>>)
    %dma_start3A_27 = arith.constant 2 : i32
    %dma_start3A_28 = arith.constant 2 : i32
    %dma_start3A_29 = arith.constant 0 : i32
    %dma_start3A_30 = arith.constant 0 : i32
    %dma_start3A_31 = tpu.memref_slice %arg8[%dma_start3A_28, %dma_start3A_29, %dma_start3A_30] : memref<4x125x64xf32, #tpu.memory_space<vmem>> -> memref<1x125x64xf32, #tpu.memory_space<vmem>>
    %dma_start3A_32 = tpu.memref_squeeze %dma_start3A_31 : memref<1x125x64xf32, #tpu.memory_space<vmem>> -> memref<125x64xf32, #tpu.memory_space<vmem>>
    %dma_start3A_33 = arith.constant 0 : i32
    %dma_start3A_34 = tpu.memref_slice %arg6[%dma_start3A_27, %dma_start3A_33] : memref<80x125xi32, #tpu.memory_space<vmem>> -> memref<1x125xi32, #tpu.memory_space<vmem>>
    %dma_start3A_35 = tpu.memref_squeeze %dma_start3A_34 : memref<1x125xi32, #tpu.memory_space<vmem>> -> memref<125xi32, #tpu.memory_space<vmem>>
    %dma_start3A_36 = arith.constant 0 : i32
    %dma_start3A_37 = arith.constant 0 : i32
    %dma_start3A_38 = tpu.memref_slice %arg2[%dma_start3A_36, %dma_start3A_37] : memref<10112x64xf32, #tpu.memory_space<hbm>> -> memref<10112x64xf32, #tpu.memory_space<hbm>>
    tpu.enqueue_indirect_dma source(%dma_start3A_38 : memref<10112x64xf32, #tpu.memory_space<hbm>>) target(%dma_start3A_32 : memref<125x64xf32, #tpu.memory_space<vmem>>) offsets(%dma_start3A_35 : memref<125xi32, #tpu.memory_space<vmem>>) semaphore(%arg12 : memref<!tpu.dma_semaphore, #tpu.memory_space<semaphore_mem>>)
    %dma_start3A_39 = arith.constant 3 : i32
    %dma_start3A_40 = arith.constant 3 : i32
    %dma_start3A_41 = arith.constant 0 : i32
    %dma_start3A_42 = arith.constant 0 : i32
    %dma_start3A_43 = tpu.memref_slice %arg8[%dma_start3A_40, %dma_start3A_41, %dma_start3A_42] : memref<4x125x64xf32, #tpu.memory_space<vmem>> -> memref<1x125x64xf32, #tpu.memory_space<vmem>>
    %dma_start3A_44 = tpu.memref_squeeze %dma_start3A_43 : memref<1x125x64xf32, #tpu.memory_space<vmem>> -> memref<125x64xf32, #tpu.memory_space<vmem>>
    %dma_start3A_45 = arith.constant 0 : i32
    %dma_start3A_46 = tpu.memref_slice %arg6[%dma_start3A_39, %dma_start3A_45] : memref<80x125xi32, #tpu.memory_space<vmem>> -> memref<1x125xi32, #tpu.memory_space<vmem>>
    %dma_start3A_47 = tpu.memref_squeeze %dma_start3A_46 : memref<1x125xi32, #tpu.memory_space<vmem>> -> memref<125xi32, #tpu.memory_space<vmem>>
    %dma_start3A_48 = arith.constant 0 : i32
    %dma_start3A_49 = arith.constant 0 : i32
    %dma_start3A_50 = tpu.memref_slice %arg2[%dma_start3A_48, %dma_start3A_49] : memref<10112x64xf32, #tpu.memory_space<hbm>> -> memref<10112x64xf32, #tpu.memory_space<hbm>>
    tpu.enqueue_indirect_dma source(%dma_start3A_50 : memref<10112x64xf32, #tpu.memory_space<hbm>>) target(%dma_start3A_44 : memref<125x64xf32, #tpu.memory_space<vmem>>) offsets(%dma_start3A_47 : memref<125xi32, #tpu.memory_space<vmem>>) semaphore(%arg13 : memref<!tpu.dma_semaphore, #tpu.memory_space<semaphore_mem>>)
    %scan3A = arith.constant 0 : i32
    %scan3A_51 = arith.constant 0 : i32
    %scan3A_52 = arith.constant 20 : i32
    %scan3A_53 = arith.addi %scan3A_51, %scan3A_52 : i32
    %scan3A_54 = arith.constant 1 : i32
    scf.for %scan3A_62 = %scan3A_51 to %scan3A_53 step %scan3A_54  : i32 {
      %mul3A_63 = arith.constant 4 : i32
      %mul3A_64 = arith.muli %scan3A_62, %mul3A_63 : i32
      %add3A_65 = arith.constant 0 : i32
      %add3A_66 = arith.addi %mul3A_64, %add3A_65 : i32
      %dma_wait3A = arith.constant 0 : i32
      %dma_wait3A_67 = arith.constant 0 : i32
      %dma_wait3A_68 = arith.constant 0 : i32
      %dma_wait3A_69 = tpu.memref_slice %arg8[%dma_wait3A, %dma_wait3A_67, %dma_wait3A_68] : memref<4x125x64xf32, #tpu.memory_space<vmem>> -> memref<1x125x64xf32, #tpu.memory_space<vmem>>
      %dma_wait3A_70 = tpu.memref_squeeze %dma_wait3A_69 : memref<1x125x64xf32, #tpu.memory_space<vmem>> -> memref<125x64xf32, #tpu.memory_space<vmem>>
      %dma_wait3A_71 = arith.constant 0 : i32
      %dma_wait3A_72 = tpu.memref_slice %arg6[%add3A_66, %dma_wait3A_71] : memref<80x125xi32, #tpu.memory_space<vmem>> -> memref<1x125xi32, #tpu.memory_space<vmem>>
      %dma_wait3A_73 = tpu.memref_squeeze %dma_wait3A_72 : memref<1x125xi32, #tpu.memory_space<vmem>> -> memref<125xi32, #tpu.memory_space<vmem>>
      %dma_wait3A_74 = arith.constant 0 : i32
      %dma_wait3A_75 = arith.constant 0 : i32
      %dma_wait3A_76 = tpu.memref_slice %arg2[%dma_wait3A_74, %dma_wait3A_75] : memref<10112x64xf32, #tpu.memory_space<hbm>> -> memref<10112x64xf32, #tpu.memory_space<hbm>>
      tpu.wait_indirect_dma semaphore(%arg10 : memref<!tpu.dma_semaphore, #tpu.memory_space<semaphore_mem>>) src(%dma_wait3A_76 : memref<10112x64xf32, #tpu.memory_space<hbm>>) dst(%dma_wait3A_70 : memref<125x64xf32, #tpu.memory_space<vmem>>)
      %dma_start3A_77 = arith.constant 0 : i32
      %dma_start3A_78 = arith.constant 0 : i32
      %dma_start3A_79 = arith.constant 0 : i32
      %dma_start3A_80 = tpu.memref_slice %arg8[%dma_start3A_77, %dma_start3A_78, %dma_start3A_79] : memref<4x125x64xf32, #tpu.memory_space<vmem>> -> memref<1x125x64xf32, #tpu.memory_space<vmem>>
      %dma_start3A_81 = tpu.memref_squeeze %dma_start3A_80 : memref<1x125x64xf32, #tpu.memory_space<vmem>> -> memref<125x64xf32, #tpu.memory_space<vmem>>
      %dma_start3A_82 = arith.constant 0 : i32
      %dma_start3A_83 = tpu.memref_slice %arg7[%add3A_66, %dma_start3A_82] : memref<80x125xi32, #tpu.memory_space<vmem>> -> memref<1x125xi32, #tpu.memory_space<vmem>>
      %dma_start3A_84 = tpu.memref_squeeze %dma_start3A_83 : memref<1x125xi32, #tpu.memory_space<vmem>> -> memref<125xi32, #tpu.memory_space<vmem>>
      %dma_start3A_85 = arith.constant 0 : i32
      %dma_start3A_86 = arith.constant 0 : i32
      %dma_start3A_87 = tpu.memref_slice %arg9[%dma_start3A_85, %dma_start3A_86] : memref<10112x64xf32, #tpu.memory_space<vmem_shared>> -> memref<10112x64xf32, #tpu.memory_space<vmem_shared>>
      tpu.enqueue_indirect_dma source(%dma_start3A_81 : memref<125x64xf32, #tpu.memory_space<vmem>>) target(%dma_start3A_87 : memref<10112x64xf32, #tpu.memory_space<vmem_shared>>) offsets(%dma_start3A_84 : memref<125xi32, #tpu.memory_space<vmem>>) semaphore(%arg14 : memref<!tpu.dma_semaphore, #tpu.memory_space<semaphore_mem>>) {add = true}
      %dma_wait3A_88 = arith.constant 0 : i32
      %dma_wait3A_89 = arith.constant 0 : i32
      %dma_wait3A_90 = arith.constant 0 : i32
      %dma_wait3A_91 = tpu.memref_slice %arg8[%dma_wait3A_88, %dma_wait3A_89, %dma_wait3A_90] : memref<4x125x64xf32, #tpu.memory_space<vmem>> -> memref<1x125x64xf32, #tpu.memory_space<vmem>>
      %dma_wait3A_92 = tpu.memref_squeeze %dma_wait3A_91 : memref<1x125x64xf32, #tpu.memory_space<vmem>> -> memref<125x64xf32, #tpu.memory_space<vmem>>
      %dma_wait3A_93 = arith.constant 0 : i32
      %dma_wait3A_94 = tpu.memref_slice %arg7[%add3A_66, %dma_wait3A_93] : memref<80x125xi32, #tpu.memory_space<vmem>> -> memref<1x125xi32, #tpu.memory_space<vmem>>
      %dma_wait3A_95 = tpu.memref_squeeze %dma_wait3A_94 : memref<1x125xi32, #tpu.memory_space<vmem>> -> memref<125xi32, #tpu.memory_space<vmem>>
      %dma_wait3A_96 = arith.constant 0 : i32
      %dma_wait3A_97 = arith.constant 0 : i32
      %dma_wait3A_98 = tpu.memref_slice %arg9[%dma_wait3A_96, %dma_wait3A_97] : memref<10112x64xf32, #tpu.memory_space<vmem_shared>> -> memref<10112x64xf32, #tpu.memory_space<vmem_shared>>
      tpu.wait_indirect_dma semaphore(%arg14 : memref<!tpu.dma_semaphore, #tpu.memory_space<semaphore_mem>>) src(%dma_wait3A_92 : memref<125x64xf32, #tpu.memory_space<vmem>>) dst(%dma_wait3A_98 : memref<10112x64xf32, #tpu.memory_space<vmem_shared>>)
      %add3A_99 = arith.constant 4 : i32
      %add3A_100 = arith.addi %add3A_66, %add3A_99 : i32
      %lt3A = arith.constant 80 : i32
      %lt3A_101 = arith.cmpi slt, %add3A_100, %lt3A : i32
      %convert_element_type3A_102 = arith.extui %lt3A_101 : i1 to i32
      %cond3A_103 = arith.constant 0 : i32
      %cond3A_104 = arith.cmpi ne, %convert_element_type3A_102, %cond3A_103 : i32
      scf.if %cond3A_104 {
        %dma_start3A_237 = arith.constant 0 : i32
        %dma_start3A_238 = arith.constant 0 : i32
        %dma_start3A_239 = arith.constant 0 : i32
        %dma_start3A_240 = tpu.memref_slice %arg8[%dma_start3A_237, %dma_start3A_238, %dma_start3A_239] : memref<4x125x64xf32, #tpu.memory_space<vmem>> -> memref<1x125x64xf32, #tpu.memory_space<vmem>>
        %dma_start3A_241 = tpu.memref_squeeze %dma_start3A_240 : memref<1x125x64xf32, #tpu.memory_space<vmem>> -> memref<125x64xf32, #tpu.memory_space<vmem>>
        %dma_start3A_242 = arith.constant 0 : i32
        %dma_start3A_243 = tpu.memref_slice %arg6[%add3A_100, %dma_start3A_242] : memref<80x125xi32, #tpu.memory_space<vmem>> -> memref<1x125xi32, #tpu.memory_space<vmem>>
        %dma_start3A_244 = tpu.memref_squeeze %dma_start3A_243 : memref<1x125xi32, #tpu.memory_space<vmem>> -> memref<125xi32, #tpu.memory_space<vmem>>
        %dma_start3A_245 = arith.constant 0 : i32
        %dma_start3A_246 = arith.constant 0 : i32
        %dma_start3A_247 = tpu.memref_slice %arg2[%dma_start3A_245, %dma_start3A_246] : memref<10112x64xf32, #tpu.memory_space<hbm>> -> memref<10112x64xf32, #tpu.memory_space<hbm>>
        tpu.enqueue_indirect_dma source(%dma_start3A_247 : memref<10112x64xf32, #tpu.memory_space<hbm>>) target(%dma_start3A_241 : memref<125x64xf32, #tpu.memory_space<vmem>>) offsets(%dma_start3A_244 : memref<125xi32, #tpu.memory_space<vmem>>) semaphore(%arg10 : memref<!tpu.dma_semaphore, #tpu.memory_space<semaphore_mem>>)
      } else {
      }
      %mul3A_105 = arith.constant 4 : i32
      %mul3A_106 = arith.muli %scan3A_62, %mul3A_105 : i32
      %add3A_107 = arith.constant 1 : i32
      %add3A_108 = arith.addi %mul3A_106, %add3A_107 : i32
      %dma_wait3A_109 = arith.constant 1 : i32
      %dma_wait3A_110 = arith.constant 0 : i32
      %dma_wait3A_111 = arith.constant 0 : i32
      %dma_wait3A_112 = tpu.memref_slice %arg8[%dma_wait3A_109, %dma_wait3A_110, %dma_wait3A_111] : memref<4x125x64xf32, #tpu.memory_space<vmem>> -> memref<1x125x64xf32, #tpu.memory_space<vmem>>
      %dma_wait3A_113 = tpu.memref_squeeze %dma_wait3A_112 : memref<1x125x64xf32, #tpu.memory_space<vmem>> -> memref<125x64xf32, #tpu.memory_space<vmem>>
      %dma_wait3A_114 = arith.constant 0 : i32
      %dma_wait3A_115 = tpu.memref_slice %arg6[%add3A_108, %dma_wait3A_114] : memref<80x125xi32, #tpu.memory_space<vmem>> -> memref<1x125xi32, #tpu.memory_space<vmem>>
      %dma_wait3A_116 = tpu.memref_squeeze %dma_wait3A_115 : memref<1x125xi32, #tpu.memory_space<vmem>> -> memref<125xi32, #tpu.memory_space<vmem>>
      %dma_wait3A_117 = arith.constant 0 : i32
      %dma_wait3A_118 = arith.constant 0 : i32
      %dma_wait3A_119 = tpu.memref_slice %arg2[%dma_wait3A_117, %dma_wait3A_118] : memref<10112x64xf32, #tpu.memory_space<hbm>> -> memref<10112x64xf32, #tpu.memory_space<hbm>>
      tpu.wait_indirect_dma semaphore(%arg11 : memref<!tpu.dma_semaphore, #tpu.memory_space<semaphore_mem>>) src(%dma_wait3A_119 : memref<10112x64xf32, #tpu.memory_space<hbm>>) dst(%dma_wait3A_113 : memref<125x64xf32, #tpu.memory_space<vmem>>)
      %dma_start3A_120 = arith.constant 1 : i32
      %dma_start3A_121 = arith.constant 0 : i32
      %dma_start3A_122 = arith.constant 0 : i32
      %dma_start3A_123 = tpu.memref_slice %arg8[%dma_start3A_120, %dma_start3A_121, %dma_start3A_122] : memref<4x125x64xf32, #tpu.memory_space<vmem>> -> memref<1x125x64xf32, #tpu.memory_space<vmem>>
      %dma_start3A_124 = tpu.memref_squeeze %dma_start3A_123 : memref<1x125x64xf32, #tpu.memory_space<vmem>> -> memref<125x64xf32, #tpu.memory_space<vmem>>
      %dma_start3A_125 = arith.constant 0 : i32
      %dma_start3A_126 = tpu.memref_slice %arg7[%add3A_108, %dma_start3A_125] : memref<80x125xi32, #tpu.memory_space<vmem>> -> memref<1x125xi32, #tpu.memory_space<vmem>>
      %dma_start3A_127 = tpu.memref_squeeze %dma_start3A_126 : memref<1x125xi32, #tpu.memory_space<vmem>> -> memref<125xi32, #tpu.memory_space<vmem>>
      %dma_start3A_128 = arith.constant 0 : i32
      %dma_start3A_129 = arith.constant 0 : i32
      %dma_start3A_130 = tpu.memref_slice %arg9[%dma_start3A_128, %dma_start3A_129] : memref<10112x64xf32, #tpu.memory_space<vmem_shared>> -> memref<10112x64xf32, #tpu.memory_space<vmem_shared>>
      tpu.enqueue_indirect_dma source(%dma_start3A_124 : memref<125x64xf32, #tpu.memory_space<vmem>>) target(%dma_start3A_130 : memref<10112x64xf32, #tpu.memory_space<vmem_shared>>) offsets(%dma_start3A_127 : memref<125xi32, #tpu.memory_space<vmem>>) semaphore(%arg15 : memref<!tpu.dma_semaphore, #tpu.memory_space<semaphore_mem>>) {add = true}
      %dma_wait3A_131 = arith.constant 1 : i32
      %dma_wait3A_132 = arith.constant 0 : i32
      %dma_wait3A_133 = arith.constant 0 : i32
      %dma_wait3A_134 = tpu.memref_slice %arg8[%dma_wait3A_131, %dma_wait3A_132, %dma_wait3A_133] : memref<4x125x64xf32, #tpu.memory_space<vmem>> -> memref<1x125x64xf32, #tpu.memory_space<vmem>>
      %dma_wait3A_135 = tpu.memref_squeeze %dma_wait3A_134 : memref<1x125x64xf32, #tpu.memory_space<vmem>> -> memref<125x64xf32, #tpu.memory_space<vmem>>
      %dma_wait3A_136 = arith.constant 0 : i32
      %dma_wait3A_137 = tpu.memref_slice %arg7[%add3A_108, %dma_wait3A_136] : memref<80x125xi32, #tpu.memory_space<vmem>> -> memref<1x125xi32, #tpu.memory_space<vmem>>
      %dma_wait3A_138 = tpu.memref_squeeze %dma_wait3A_137 : memref<1x125xi32, #tpu.memory_space<vmem>> -> memref<125xi32, #tpu.memory_space<vmem>>
      %dma_wait3A_139 = arith.constant 0 : i32
      %dma_wait3A_140 = arith.constant 0 : i32
      %dma_wait3A_141 = tpu.memref_slice %arg9[%dma_wait3A_139, %dma_wait3A_140] : memref<10112x64xf32, #tpu.memory_space<vmem_shared>> -> memref<10112x64xf32, #tpu.memory_space<vmem_shared>>
      tpu.wait_indirect_dma semaphore(%arg15 : memref<!tpu.dma_semaphore, #tpu.memory_space<semaphore_mem>>) src(%dma_wait3A_135 : memref<125x64xf32, #tpu.memory_space<vmem>>) dst(%dma_wait3A_141 : memref<10112x64xf32, #tpu.memory_space<vmem_shared>>)
      %add3A_142 = arith.constant 4 : i32
      %add3A_143 = arith.addi %add3A_108, %add3A_142 : i32
      %lt3A_144 = arith.constant 80 : i32
      %lt3A_145 = arith.cmpi slt, %add3A_143, %lt3A_144 : i32
      %convert_element_type3A_146 = arith.extui %lt3A_145 : i1 to i32
      %cond3A_147 = arith.constant 0 : i32
      %cond3A_148 = arith.cmpi ne, %convert_element_type3A_146, %cond3A_147 : i32
      scf.if %cond3A_148 {
        %dma_start3A_237 = arith.constant 1 : i32
        %dma_start3A_238 = arith.constant 0 : i32
        %dma_start3A_239 = arith.constant 0 : i32
        %dma_start3A_240 = tpu.memref_slice %arg8[%dma_start3A_237, %dma_start3A_238, %dma_start3A_239] : memref<4x125x64xf32, #tpu.memory_space<vmem>> -> memref<1x125x64xf32, #tpu.memory_space<vmem>>
        %dma_start3A_241 = tpu.memref_squeeze %dma_start3A_240 : memref<1x125x64xf32, #tpu.memory_space<vmem>> -> memref<125x64xf32, #tpu.memory_space<vmem>>
        %dma_start3A_242 = arith.constant 0 : i32
        %dma_start3A_243 = tpu.memref_slice %arg6[%add3A_143, %dma_start3A_242] : memref<80x125xi32, #tpu.memory_space<vmem>> -> memref<1x125xi32, #tpu.memory_space<vmem>>
        %dma_start3A_244 = tpu.memref_squeeze %dma_start3A_243 : memref<1x125xi32, #tpu.memory_space<vmem>> -> memref<125xi32, #tpu.memory_space<vmem>>
        %dma_start3A_245 = arith.constant 0 : i32
        %dma_start3A_246 = arith.constant 0 : i32
        %dma_start3A_247 = tpu.memref_slice %arg2[%dma_start3A_245, %dma_start3A_246] : memref<10112x64xf32, #tpu.memory_space<hbm>> -> memref<10112x64xf32, #tpu.memory_space<hbm>>
        tpu.enqueue_indirect_dma source(%dma_start3A_247 : memref<10112x64xf32, #tpu.memory_space<hbm>>) target(%dma_start3A_241 : memref<125x64xf32, #tpu.memory_space<vmem>>) offsets(%dma_start3A_244 : memref<125xi32, #tpu.memory_space<vmem>>) semaphore(%arg11 : memref<!tpu.dma_semaphore, #tpu.memory_space<semaphore_mem>>)
      } else {
      }
      %mul3A_149 = arith.constant 4 : i32
      %mul3A_150 = arith.muli %scan3A_62, %mul3A_149 : i32
      %add3A_151 = arith.constant 2 : i32
      %add3A_152 = arith.addi %mul3A_150, %add3A_151 : i32
      %dma_wait3A_153 = arith.constant 2 : i32
      %dma_wait3A_154 = arith.constant 0 : i32
      %dma_wait3A_155 = arith.constant 0 : i32
      %dma_wait3A_156 = tpu.memref_slice %arg8[%dma_wait3A_153, %dma_wait3A_154, %dma_wait3A_155] : memref<4x125x64xf32, #tpu.memory_space<vmem>> -> memref<1x125x64xf32, #tpu.memory_space<vmem>>
      %dma_wait3A_157 = tpu.memref_squeeze %dma_wait3A_156 : memref<1x125x64xf32, #tpu.memory_space<vmem>> -> memref<125x64xf32, #tpu.memory_space<vmem>>
      %dma_wait3A_158 = arith.constant 0 : i32
      %dma_wait3A_159 = tpu.memref_slice %arg6[%add3A_152, %dma_wait3A_158] : memref<80x125xi32, #tpu.memory_space<vmem>> -> memref<1x125xi32, #tpu.memory_space<vmem>>
      %dma_wait3A_160 = tpu.memref_squeeze %dma_wait3A_159 : memref<1x125xi32, #tpu.memory_space<vmem>> -> memref<125xi32, #tpu.memory_space<vmem>>
      %dma_wait3A_161 = arith.constant 0 : i32
      %dma_wait3A_162 = arith.constant 0 : i32
      %dma_wait3A_163 = tpu.memref_slice %arg2[%dma_wait3A_161, %dma_wait3A_162] : memref<10112x64xf32, #tpu.memory_space<hbm>> -> memref<10112x64xf32, #tpu.memory_space<hbm>>
      tpu.wait_indirect_dma semaphore(%arg12 : memref<!tpu.dma_semaphore, #tpu.memory_space<semaphore_mem>>) src(%dma_wait3A_163 : memref<10112x64xf32, #tpu.memory_space<hbm>>) dst(%dma_wait3A_157 : memref<125x64xf32, #tpu.memory_space<vmem>>)
      %dma_start3A_164 = arith.constant 2 : i32
      %dma_start3A_165 = arith.constant 0 : i32
      %dma_start3A_166 = arith.constant 0 : i32
      %dma_start3A_167 = tpu.memref_slice %arg8[%dma_start3A_164, %dma_start3A_165, %dma_start3A_166] : memref<4x125x64xf32, #tpu.memory_space<vmem>> -> memref<1x125x64xf32, #tpu.memory_space<vmem>>
      %dma_start3A_168 = tpu.memref_squeeze %dma_start3A_167 : memref<1x125x64xf32, #tpu.memory_space<vmem>> -> memref<125x64xf32, #tpu.memory_space<vmem>>
      %dma_start3A_169 = arith.constant 0 : i32
      %dma_start3A_170 = tpu.memref_slice %arg7[%add3A_152, %dma_start3A_169] : memref<80x125xi32, #tpu.memory_space<vmem>> -> memref<1x125xi32, #tpu.memory_space<vmem>>
      %dma_start3A_171 = tpu.memref_squeeze %dma_start3A_170 : memref<1x125xi32, #tpu.memory_space<vmem>> -> memref<125xi32, #tpu.memory_space<vmem>>
      %dma_start3A_172 = arith.constant 0 : i32
      %dma_start3A_173 = arith.constant 0 : i32
      %dma_start3A_174 = tpu.memref_slice %arg9[%dma_start3A_172, %dma_start3A_173] : memref<10112x64xf32, #tpu.memory_space<vmem_shared>> -> memref<10112x64xf32, #tpu.memory_space<vmem_shared>>
      tpu.enqueue_indirect_dma source(%dma_start3A_168 : memref<125x64xf32, #tpu.memory_space<vmem>>) target(%dma_start3A_174 : memref<10112x64xf32, #tpu.memory_space<vmem_shared>>) offsets(%dma_start3A_171 : memref<125xi32, #tpu.memory_space<vmem>>) semaphore(%arg16 : memref<!tpu.dma_semaphore, #tpu.memory_space<semaphore_mem>>) {add = true}
      %dma_wait3A_175 = arith.constant 2 : i32
      %dma_wait3A_176 = arith.constant 0 : i32
      %dma_wait3A_177 = arith.constant 0 : i32
      %dma_wait3A_178 = tpu.memref_slice %arg8[%dma_wait3A_175, %dma_wait3A_176, %dma_wait3A_177] : memref<4x125x64xf32, #tpu.memory_space<vmem>> -> memref<1x125x64xf32, #tpu.memory_space<vmem>>
      %dma_wait3A_179 = tpu.memref_squeeze %dma_wait3A_178 : memref<1x125x64xf32, #tpu.memory_space<vmem>> -> memref<125x64xf32, #tpu.memory_space<vmem>>
      %dma_wait3A_180 = arith.constant 0 : i32
      %dma_wait3A_181 = tpu.memref_slice %arg7[%add3A_152, %dma_wait3A_180] : memref<80x125xi32, #tpu.memory_space<vmem>> -> memref<1x125xi32, #tpu.memory_space<vmem>>
      %dma_wait3A_182 = tpu.memref_squeeze %dma_wait3A_181 : memref<1x125xi32, #tpu.memory_space<vmem>> -> memref<125xi32, #tpu.memory_space<vmem>>
      %dma_wait3A_183 = arith.constant 0 : i32
      %dma_wait3A_184 = arith.constant 0 : i32
      %dma_wait3A_185 = tpu.memref_slice %arg9[%dma_wait3A_183, %dma_wait3A_184] : memref<10112x64xf32, #tpu.memory_space<vmem_shared>> -> memref<10112x64xf32, #tpu.memory_space<vmem_shared>>
      tpu.wait_indirect_dma semaphore(%arg16 : memref<!tpu.dma_semaphore, #tpu.memory_space<semaphore_mem>>) src(%dma_wait3A_179 : memref<125x64xf32, #tpu.memory_space<vmem>>) dst(%dma_wait3A_185 : memref<10112x64xf32, #tpu.memory_space<vmem_shared>>)
      %add3A_186 = arith.constant 4 : i32
      %add3A_187 = arith.addi %add3A_152, %add3A_186 : i32
      %lt3A_188 = arith.constant 80 : i32
      %lt3A_189 = arith.cmpi slt, %add3A_187, %lt3A_188 : i32
      %convert_element_type3A_190 = arith.extui %lt3A_189 : i1 to i32
      %cond3A_191 = arith.constant 0 : i32
      %cond3A_192 = arith.cmpi ne, %convert_element_type3A_190, %cond3A_191 : i32
      scf.if %cond3A_192 {
        %dma_start3A_237 = arith.constant 2 : i32
        %dma_start3A_238 = arith.constant 0 : i32
        %dma_start3A_239 = arith.constant 0 : i32
        %dma_start3A_240 = tpu.memref_slice %arg8[%dma_start3A_237, %dma_start3A_238, %dma_start3A_239] : memref<4x125x64xf32, #tpu.memory_space<vmem>> -> memref<1x125x64xf32, #tpu.memory_space<vmem>>
        %dma_start3A_241 = tpu.memref_squeeze %dma_start3A_240 : memref<1x125x64xf32, #tpu.memory_space<vmem>> -> memref<125x64xf32, #tpu.memory_space<vmem>>
        %dma_start3A_242 = arith.constant 0 : i32
        %dma_start3A_243 = tpu.memref_slice %arg6[%add3A_187, %dma_start3A_242] : memref<80x125xi32, #tpu.memory_space<vmem>> -> memref<1x125xi32, #tpu.memory_space<vmem>>
        %dma_start3A_244 = tpu.memref_squeeze %dma_start3A_243 : memref<1x125xi32, #tpu.memory_space<vmem>> -> memref<125xi32, #tpu.memory_space<vmem>>
        %dma_start3A_245 = arith.constant 0 : i32
        %dma_start3A_246 = arith.constant 0 : i32
        %dma_start3A_247 = tpu.memref_slice %arg2[%dma_start3A_245, %dma_start3A_246] : memref<10112x64xf32, #tpu.memory_space<hbm>> -> memref<10112x64xf32, #tpu.memory_space<hbm>>
        tpu.enqueue_indirect_dma source(%dma_start3A_247 : memref<10112x64xf32, #tpu.memory_space<hbm>>) target(%dma_start3A_241 : memref<125x64xf32, #tpu.memory_space<vmem>>) offsets(%dma_start3A_244 : memref<125xi32, #tpu.memory_space<vmem>>) semaphore(%arg12 : memref<!tpu.dma_semaphore, #tpu.memory_space<semaphore_mem>>)
      } else {
      }
      %mul3A_193 = arith.constant 4 : i32
      %mul3A_194 = arith.muli %scan3A_62, %mul3A_193 : i32
      %add3A_195 = arith.constant 3 : i32
      %add3A_196 = arith.addi %mul3A_194, %add3A_195 : i32
      %dma_wait3A_197 = arith.constant 3 : i32
      %dma_wait3A_198 = arith.constant 0 : i32
      %dma_wait3A_199 = arith.constant 0 : i32
      %dma_wait3A_200 = tpu.memref_slice %arg8[%dma_wait3A_197, %dma_wait3A_198, %dma_wait3A_199] : memref<4x125x64xf32, #tpu.memory_space<vmem>> -> memref<1x125x64xf32, #tpu.memory_space<vmem>>
      %dma_wait3A_201 = tpu.memref_squeeze %dma_wait3A_200 : memref<1x125x64xf32, #tpu.memory_space<vmem>> -> memref<125x64xf32, #tpu.memory_space<vmem>>
      %dma_wait3A_202 = arith.constant 0 : i32
      %dma_wait3A_203 = tpu.memref_slice %arg6[%add3A_196, %dma_wait3A_202] : memref<80x125xi32, #tpu.memory_space<vmem>> -> memref<1x125xi32, #tpu.memory_space<vmem>>
      %dma_wait3A_204 = tpu.memref_squeeze %dma_wait3A_203 : memref<1x125xi32, #tpu.memory_space<vmem>> -> memref<125xi32, #tpu.memory_space<vmem>>
      %dma_wait3A_205 = arith.constant 0 : i32
      %dma_wait3A_206 = arith.constant 0 : i32
      %dma_wait3A_207 = tpu.memref_slice %arg2[%dma_wait3A_205, %dma_wait3A_206] : memref<10112x64xf32, #tpu.memory_space<hbm>> -> memref<10112x64xf32, #tpu.memory_space<hbm>>
      tpu.wait_indirect_dma semaphore(%arg13 : memref<!tpu.dma_semaphore, #tpu.memory_space<semaphore_mem>>) src(%dma_wait3A_207 : memref<10112x64xf32, #tpu.memory_space<hbm>>) dst(%dma_wait3A_201 : memref<125x64xf32, #tpu.memory_space<vmem>>)
      %dma_start3A_208 = arith.constant 3 : i32
      %dma_start3A_209 = arith.constant 0 : i32
      %dma_start3A_210 = arith.constant 0 : i32
      %dma_start3A_211 = tpu.memref_slice %arg8[%dma_start3A_208, %dma_start3A_209, %dma_start3A_210] : memref<4x125x64xf32, #tpu.memory_space<vmem>> -> memref<1x125x64xf32, #tpu.memory_space<vmem>>
      %dma_start3A_212 = tpu.memref_squeeze %dma_start3A_211 : memref<1x125x64xf32, #tpu.memory_space<vmem>> -> memref<125x64xf32, #tpu.memory_space<vmem>>
      %dma_start3A_213 = arith.constant 0 : i32
      %dma_start3A_214 = tpu.memref_slice %arg7[%add3A_196, %dma_start3A_213] : memref<80x125xi32, #tpu.memory_space<vmem>> -> memref<1x125xi32, #tpu.memory_space<vmem>>
      %dma_start3A_215 = tpu.memref_squeeze %dma_start3A_214 : memref<1x125xi32, #tpu.memory_space<vmem>> -> memref<125xi32, #tpu.memory_space<vmem>>
      %dma_start3A_216 = arith.constant 0 : i32
      %dma_start3A_217 = arith.constant 0 : i32
      %dma_start3A_218 = tpu.memref_slice %arg9[%dma_start3A_216, %dma_start3A_217] : memref<10112x64xf32, #tpu.memory_space<vmem_shared>> -> memref<10112x64xf32, #tpu.memory_space<vmem_shared>>
      tpu.enqueue_indirect_dma source(%dma_start3A_212 : memref<125x64xf32, #tpu.memory_space<vmem>>) target(%dma_start3A_218 : memref<10112x64xf32, #tpu.memory_space<vmem_shared>>) offsets(%dma_start3A_215 : memref<125xi32, #tpu.memory_space<vmem>>) semaphore(%arg17 : memref<!tpu.dma_semaphore, #tpu.memory_space<semaphore_mem>>) {add = true}
      %dma_wait3A_219 = arith.constant 3 : i32
      %dma_wait3A_220 = arith.constant 0 : i32
      %dma_wait3A_221 = arith.constant 0 : i32
      %dma_wait3A_222 = tpu.memref_slice %arg8[%dma_wait3A_219, %dma_wait3A_220, %dma_wait3A_221] : memref<4x125x64xf32, #tpu.memory_space<vmem>> -> memref<1x125x64xf32, #tpu.memory_space<vmem>>
      %dma_wait3A_223 = tpu.memref_squeeze %dma_wait3A_222 : memref<1x125x64xf32, #tpu.memory_space<vmem>> -> memref<125x64xf32, #tpu.memory_space<vmem>>
      %dma_wait3A_224 = arith.constant 0 : i32
      %dma_wait3A_225 = tpu.memref_slice %arg7[%add3A_196, %dma_wait3A_224] : memref<80x125xi32, #tpu.memory_space<vmem>> -> memref<1x125xi32, #tpu.memory_space<vmem>>
      %dma_wait3A_226 = tpu.memref_squeeze %dma_wait3A_225 : memref<1x125xi32, #tpu.memory_space<vmem>> -> memref<125xi32, #tpu.memory_space<vmem>>
      %dma_wait3A_227 = arith.constant 0 : i32
      %dma_wait3A_228 = arith.constant 0 : i32
      %dma_wait3A_229 = tpu.memref_slice %arg9[%dma_wait3A_227, %dma_wait3A_228] : memref<10112x64xf32, #tpu.memory_space<vmem_shared>> -> memref<10112x64xf32, #tpu.memory_space<vmem_shared>>
      tpu.wait_indirect_dma semaphore(%arg17 : memref<!tpu.dma_semaphore, #tpu.memory_space<semaphore_mem>>) src(%dma_wait3A_223 : memref<125x64xf32, #tpu.memory_space<vmem>>) dst(%dma_wait3A_229 : memref<10112x64xf32, #tpu.memory_space<vmem_shared>>)
      %add3A_230 = arith.constant 4 : i32
      %add3A_231 = arith.addi %add3A_196, %add3A_230 : i32
      %lt3A_232 = arith.constant 80 : i32
      %lt3A_233 = arith.cmpi slt, %add3A_231, %lt3A_232 : i32
      %convert_element_type3A_234 = arith.extui %lt3A_233 : i1 to i32
      %cond3A_235 = arith.constant 0 : i32
      %cond3A_236 = arith.cmpi ne, %convert_element_type3A_234, %cond3A_235 : i32
      scf.if %cond3A_236 {
        %dma_start3A_237 = arith.constant 3 : i32
        %dma_start3A_238 = arith.constant 0 : i32
        %dma_start3A_239 = arith.constant 0 : i32
        %dma_start3A_240 = tpu.memref_slice %arg8[%dma_start3A_237, %dma_start3A_238, %dma_start3A_239] : memref<4x125x64xf32, #tpu.memory_space<vmem>> -> memref<1x125x64xf32, #tpu.memory_space<vmem>>
        %dma_start3A_241 = tpu.memref_squeeze %dma_start3A_240 : memref<1x125x64xf32, #tpu.memory_space<vmem>> -> memref<125x64xf32, #tpu.memory_space<vmem>>
        %dma_start3A_242 = arith.constant 0 : i32
        %dma_start3A_243 = tpu.memref_slice %arg6[%add3A_231, %dma_start3A_242] : memref<80x125xi32, #tpu.memory_space<vmem>> -> memref<1x125xi32, #tpu.memory_space<vmem>>
        %dma_start3A_244 = tpu.memref_squeeze %dma_start3A_243 : memref<1x125xi32, #tpu.memory_space<vmem>> -> memref<125xi32, #tpu.memory_space<vmem>>
        %dma_start3A_245 = arith.constant 0 : i32
        %dma_start3A_246 = arith.constant 0 : i32
        %dma_start3A_247 = tpu.memref_slice %arg2[%dma_start3A_245, %dma_start3A_246] : memref<10112x64xf32, #tpu.memory_space<hbm>> -> memref<10112x64xf32, #tpu.memory_space<hbm>>
        tpu.enqueue_indirect_dma source(%dma_start3A_247 : memref<10112x64xf32, #tpu.memory_space<hbm>>) target(%dma_start3A_241 : memref<125x64xf32, #tpu.memory_space<vmem>>) offsets(%dma_start3A_244 : memref<125xi32, #tpu.memory_space<vmem>>) semaphore(%arg13 : memref<!tpu.dma_semaphore, #tpu.memory_space<semaphore_mem>>)
      } else {
      }
    }
    %scan3A_55 = arith.constant 20 : i32
    %barrier3A_56 = arith.constant 0 : index
    tpu.barrier barrier_id(%barrier3A_56)
    %eq3A_57 = arith.constant 0 : i32
    %eq3A_58 = arith.cmpi eq, %arg1, %eq3A_57 : i32
    %convert_element_type3A_59 = arith.extui %eq3A_58 : i1 to i32
    %cond3A_60 = arith.constant 0 : i32
    %cond3A_61 = arith.cmpi ne, %convert_element_type3A_59, %cond3A_60 : i32
    scf.if %cond3A_61 {
      "tpu.region"() ({
        %run_scoped3A_62 = tpu.sem_alloc : memref<!tpu.dma_semaphore, #tpu.memory_space<semaphore_mem>>
        %dma_start3A_63 = arith.constant 0 : i32
        %dma_start3A_64 = arith.constant 0 : i32
        %dma_start3A_65 = tpu.memref_slice %arg5[%arg0, %dma_start3A_63, %dma_start3A_64] : memref<2x10112x64xf32, #tpu.memory_space<hbm>> -> memref<1x10112x64xf32, #tpu.memory_space<hbm>>
        %dma_start3A_66 = tpu.memref_squeeze %dma_start3A_65 : memref<1x10112x64xf32, #tpu.memory_space<hbm>> -> memref<10112x64xf32, #tpu.memory_space<hbm>>
        tpu.enqueue_dma source(%arg9 : memref<10112x64xf32, #tpu.memory_space<vmem_shared>>) target(%dma_start3A_66 : memref<10112x64xf32, #tpu.memory_space<hbm>>) target_semaphore(%run_scoped3A_62 : memref<!tpu.dma_semaphore, #tpu.memory_space<semaphore_mem>>)
        %dma_wait3A = arith.constant 0 : i32
        %dma_wait3A_67 = arith.constant 0 : i32
        %dma_wait3A_68 = tpu.memref_slice %arg5[%arg0, %dma_wait3A, %dma_wait3A_67] : memref<2x10112x64xf32, #tpu.memory_space<hbm>> -> memref<1x10112x64xf32, #tpu.memory_space<hbm>>
        %dma_wait3A_69 = tpu.memref_squeeze %dma_wait3A_68 : memref<1x10112x64xf32, #tpu.memory_space<hbm>> -> memref<10112x64xf32, #tpu.memory_space<hbm>>
        tpu.wait_dma2 semaphore(%run_scoped3A_62 : memref<!tpu.dma_semaphore, #tpu.memory_space<semaphore_mem>>) src(%arg9 : memref<10112x64xf32, #tpu.memory_space<vmem_shared>>) dst(%dma_wait3A_69 : memref<10112x64xf32, #tpu.memory_space<hbm>>)
        tpu.yield
      }) : () -> ()
    } else {
    }
    return
  }
}

#map = affine_map<(d0, d1) -> (0, 0, 0, 0)>
#map1 = affine_map<(d0, d1) -> (0, 0)>
#map2 = affine_map<(d0, d1) -> (0, 0, 0)>
module attributes {stable_mosaic.version = 14 : i64} {
  func.func @_sc_degree(%arg0: i32, %arg1: i32, %arg2: memref<2x32x80x125xi32, #tpu.memory_space<hbm>>, %arg3: memref<125x8xf32, #tpu.memory_space<hbm>>, %arg4: memref<10112x8xf32, #tpu.memory_space<hbm>>, %arg5: memref<2x10112x8xf32, #tpu.memory_space<hbm>>, %arg6: memref<80x125xi32, #tpu.memory_space<vmem>>, %arg7: memref<125x8xf32, #tpu.memory_space<vmem>>, %arg8: memref<10112x8xf32, #tpu.memory_space<vmem_shared>>, %arg9: memref<!tpu.dma_semaphore, #tpu.memory_space<semaphore_mem>>) attributes {dimension_semantics = [#tpu.dimension_semantics<core_parallel>, #tpu.dimension_semantics<subcore_parallel>], iteration_bounds = array<i64: 2, 16>, scalar_prefetch = 0 : i64, scratch_operands = 4 : i64, tpu.core_type = #tpu.core_type<sc_vector_subcore>, window_params = [{transform_indices = #map}, {transform_indices = #map1}, {transform_indices = #map1}, {transform_indices = #map2}]} {
    %mul3A = arith.constant 16 : i32
    %mul3A_0 = arith.muli %arg0, %mul3A : i32
    %add3A = arith.addi %mul3A_0, %arg1 : i32
    %run_scoped3A = arith.constant 1 : i32
    "tpu.region"() ({
      %run_scoped3A_20 = tpu.sem_alloc : memref<!tpu.dma_semaphore, #tpu.memory_space<semaphore_mem>>
      %dma_start3A = arith.constant 0 : i32
      %dma_start3A_21 = arith.constant 0 : i32
      %dma_start3A_22 = arith.constant 0 : i32
      %dma_start3A_23 = tpu.memref_slice %arg2[%run_scoped3A, %dma_start3A, %dma_start3A_21, %dma_start3A_22] : memref<2x32x80x125xi32, #tpu.memory_space<hbm>> -> memref<1x32x80x125xi32, #tpu.memory_space<hbm>>
      %dma_start3A_24 = tpu.memref_squeeze %dma_start3A_23 : memref<1x32x80x125xi32, #tpu.memory_space<hbm>> -> memref<32x80x125xi32, #tpu.memory_space<hbm>>
      %dma_start3A_25 = arith.constant 0 : i32
      %dma_start3A_26 = arith.constant 0 : i32
      %dma_start3A_27 = tpu.memref_slice %dma_start3A_24[%add3A, %dma_start3A_25, %dma_start3A_26] : memref<32x80x125xi32, #tpu.memory_space<hbm>> -> memref<1x80x125xi32, #tpu.memory_space<hbm>>
      %dma_start3A_28 = tpu.memref_squeeze %dma_start3A_27 : memref<1x80x125xi32, #tpu.memory_space<hbm>> -> memref<80x125xi32, #tpu.memory_space<hbm>>
      %dma_start3A_29 = arith.constant 0 : i32
      %dma_start3A_30 = arith.constant 0 : i32
      %dma_start3A_31 = arith.constant 0 : i32
      %dma_start3A_32 = tpu.memref_slice %arg2[%run_scoped3A, %dma_start3A_29, %dma_start3A_30, %dma_start3A_31] : memref<2x32x80x125xi32, #tpu.memory_space<hbm>> -> memref<1x32x80x125xi32, #tpu.memory_space<hbm>>
      %dma_start3A_33 = tpu.memref_squeeze %dma_start3A_32 : memref<1x32x80x125xi32, #tpu.memory_space<hbm>> -> memref<32x80x125xi32, #tpu.memory_space<hbm>>
      %dma_start3A_34 = arith.constant 0 : i32
      %dma_start3A_35 = arith.constant 0 : i32
      %dma_start3A_36 = tpu.memref_slice %dma_start3A_33[%add3A, %dma_start3A_34, %dma_start3A_35] : memref<32x80x125xi32, #tpu.memory_space<hbm>> -> memref<1x80x125xi32, #tpu.memory_space<hbm>>
      %dma_start3A_37 = tpu.memref_squeeze %dma_start3A_36 : memref<1x80x125xi32, #tpu.memory_space<hbm>> -> memref<80x125xi32, #tpu.memory_space<hbm>>
      tpu.enqueue_dma source(%dma_start3A_37 : memref<80x125xi32, #tpu.memory_space<hbm>>) target(%arg6 : memref<80x125xi32, #tpu.memory_space<vmem>>) target_semaphore(%run_scoped3A_20 : memref<!tpu.dma_semaphore, #tpu.memory_space<semaphore_mem>>)
      %dma_wait3A = arith.constant 0 : i32
      %dma_wait3A_38 = arith.constant 0 : i32
      %dma_wait3A_39 = arith.constant 0 : i32
      %dma_wait3A_40 = tpu.memref_slice %arg2[%run_scoped3A, %dma_wait3A, %dma_wait3A_38, %dma_wait3A_39] : memref<2x32x80x125xi32, #tpu.memory_space<hbm>> -> memref<1x32x80x125xi32, #tpu.memory_space<hbm>>
      %dma_wait3A_41 = tpu.memref_squeeze %dma_wait3A_40 : memref<1x32x80x125xi32, #tpu.memory_space<hbm>> -> memref<32x80x125xi32, #tpu.memory_space<hbm>>
      %dma_wait3A_42 = arith.constant 0 : i32
      %dma_wait3A_43 = arith.constant 0 : i32
      %dma_wait3A_44 = tpu.memref_slice %dma_wait3A_41[%add3A, %dma_wait3A_42, %dma_wait3A_43] : memref<32x80x125xi32, #tpu.memory_space<hbm>> -> memref<1x80x125xi32, #tpu.memory_space<hbm>>
      %dma_wait3A_45 = tpu.memref_squeeze %dma_wait3A_44 : memref<1x80x125xi32, #tpu.memory_space<hbm>> -> memref<80x125xi32, #tpu.memory_space<hbm>>
      %dma_wait3A_46 = arith.constant 0 : i32
      %dma_wait3A_47 = arith.constant 0 : i32
      %dma_wait3A_48 = arith.constant 0 : i32
      %dma_wait3A_49 = tpu.memref_slice %arg2[%run_scoped3A, %dma_wait3A_46, %dma_wait3A_47, %dma_wait3A_48] : memref<2x32x80x125xi32, #tpu.memory_space<hbm>> -> memref<1x32x80x125xi32, #tpu.memory_space<hbm>>
      %dma_wait3A_50 = tpu.memref_squeeze %dma_wait3A_49 : memref<1x32x80x125xi32, #tpu.memory_space<hbm>> -> memref<32x80x125xi32, #tpu.memory_space<hbm>>
      %dma_wait3A_51 = arith.constant 0 : i32
      %dma_wait3A_52 = arith.constant 0 : i32
      %dma_wait3A_53 = tpu.memref_slice %dma_wait3A_50[%add3A, %dma_wait3A_51, %dma_wait3A_52] : memref<32x80x125xi32, #tpu.memory_space<hbm>> -> memref<1x80x125xi32, #tpu.memory_space<hbm>>
      %dma_wait3A_54 = tpu.memref_squeeze %dma_wait3A_53 : memref<1x80x125xi32, #tpu.memory_space<hbm>> -> memref<80x125xi32, #tpu.memory_space<hbm>>
      tpu.wait_dma2 semaphore(%run_scoped3A_20 : memref<!tpu.dma_semaphore, #tpu.memory_space<semaphore_mem>>) src(%dma_wait3A_54 : memref<80x125xi32, #tpu.memory_space<hbm>>) dst(%arg6 : memref<80x125xi32, #tpu.memory_space<vmem>>)
      tpu.yield
    }) : () -> ()
    "tpu.region"() ({
      %run_scoped3A_20 = tpu.sem_alloc : memref<!tpu.dma_semaphore, #tpu.memory_space<semaphore_mem>>
      tpu.enqueue_dma source(%arg3 : memref<125x8xf32, #tpu.memory_space<hbm>>) target(%arg7 : memref<125x8xf32, #tpu.memory_space<vmem>>) target_semaphore(%run_scoped3A_20 : memref<!tpu.dma_semaphore, #tpu.memory_space<semaphore_mem>>)
      tpu.wait_dma2 semaphore(%run_scoped3A_20 : memref<!tpu.dma_semaphore, #tpu.memory_space<semaphore_mem>>) src(%arg3 : memref<125x8xf32, #tpu.memory_space<hbm>>) dst(%arg7 : memref<125x8xf32, #tpu.memory_space<vmem>>)
      tpu.yield
    }) : () -> ()
    %eq3A = arith.constant 0 : i32
    %eq3A_1 = arith.cmpi eq, %arg1, %eq3A : i32
    %convert_element_type3A = arith.extui %eq3A_1 : i1 to i32
    %cond3A = arith.constant 0 : i32
    %cond3A_2 = arith.cmpi ne, %convert_element_type3A, %cond3A : i32
    scf.if %cond3A_2 {
      "tpu.region"() ({
        %run_scoped3A_20 = tpu.sem_alloc : memref<!tpu.dma_semaphore, #tpu.memory_space<semaphore_mem>>
        tpu.enqueue_dma source(%arg4 : memref<10112x8xf32, #tpu.memory_space<hbm>>) target(%arg8 : memref<10112x8xf32, #tpu.memory_space<vmem_shared>>) target_semaphore(%run_scoped3A_20 : memref<!tpu.dma_semaphore, #tpu.memory_space<semaphore_mem>>)
        tpu.wait_dma2 semaphore(%run_scoped3A_20 : memref<!tpu.dma_semaphore, #tpu.memory_space<semaphore_mem>>) src(%arg4 : memref<10112x8xf32, #tpu.memory_space<hbm>>) dst(%arg8 : memref<10112x8xf32, #tpu.memory_space<vmem_shared>>)
        tpu.yield
      }) : () -> ()
    } else {
    }
    %barrier3A = arith.constant 0 : index
    tpu.barrier barrier_id(%barrier3A)
    %scan3A = arith.constant 0 : i32
    %scan3A_3 = arith.constant 0 : i32
    %scan3A_4 = arith.constant 80 : i32
    %scan3A_5 = arith.addi %scan3A_3, %scan3A_4 : i32
    %scan3A_6 = arith.constant 1 : i32
    scf.for %scan3A_20 = %scan3A_3 to %scan3A_5 step %scan3A_6  : i32 {
      %dma_start3A = arith.constant 0 : i32
      %dma_start3A_21 = tpu.memref_slice %arg6[%scan3A_20, %dma_start3A] : memref<80x125xi32, #tpu.memory_space<vmem>> -> memref<1x125xi32, #tpu.memory_space<vmem>>
      %dma_start3A_22 = tpu.memref_squeeze %dma_start3A_21 : memref<1x125xi32, #tpu.memory_space<vmem>> -> memref<125xi32, #tpu.memory_space<vmem>>
      %dma_start3A_23 = arith.constant 0 : i32
      %dma_start3A_24 = arith.constant 0 : i32
      %dma_start3A_25 = tpu.memref_slice %arg8[%dma_start3A_23, %dma_start3A_24] : memref<10112x8xf32, #tpu.memory_space<vmem_shared>> -> memref<10112x8xf32, #tpu.memory_space<vmem_shared>>
      tpu.enqueue_indirect_dma source(%arg7 : memref<125x8xf32, #tpu.memory_space<vmem>>) target(%dma_start3A_25 : memref<10112x8xf32, #tpu.memory_space<vmem_shared>>) offsets(%dma_start3A_22 : memref<125xi32, #tpu.memory_space<vmem>>) semaphore(%arg9 : memref<!tpu.dma_semaphore, #tpu.memory_space<semaphore_mem>>) {add = true}
      %ge3A = arith.constant 8 : i32
      %ge3A_26 = arith.cmpi sge, %scan3A_20, %ge3A : i32
      %convert_element_type3A_27 = arith.extui %ge3A_26 : i1 to i32
      %cond3A_28 = arith.constant 0 : i32
      %cond3A_29 = arith.cmpi ne, %convert_element_type3A_27, %cond3A_28 : i32
      scf.if %cond3A_29 {
        %dma_wait3A = arith.constant 0 : i32
        %dma_wait3A_30 = arith.constant 0 : i32
        %dma_wait3A_31 = tpu.memref_slice %arg6[%dma_wait3A, %dma_wait3A_30] : memref<80x125xi32, #tpu.memory_space<vmem>> -> memref<1x125xi32, #tpu.memory_space<vmem>>
        %dma_wait3A_32 = tpu.memref_squeeze %dma_wait3A_31 : memref<1x125xi32, #tpu.memory_space<vmem>> -> memref<125xi32, #tpu.memory_space<vmem>>
        %dma_wait3A_33 = arith.constant 0 : i32
        %dma_wait3A_34 = arith.constant 0 : i32
        %dma_wait3A_35 = tpu.memref_slice %arg8[%dma_wait3A_33, %dma_wait3A_34] : memref<10112x8xf32, #tpu.memory_space<vmem_shared>> -> memref<10112x8xf32, #tpu.memory_space<vmem_shared>>
        tpu.wait_indirect_dma semaphore(%arg9 : memref<!tpu.dma_semaphore, #tpu.memory_space<semaphore_mem>>) src(%arg7 : memref<125x8xf32, #tpu.memory_space<vmem>>) dst(%dma_wait3A_35 : memref<10112x8xf32, #tpu.memory_space<vmem_shared>>)
      } else {
      }
    }
    %scan3A_7 = arith.constant 80 : i32
    %scan3A_8 = arith.constant 0 : i32
    %scan3A_9 = arith.constant 0 : i32
    %scan3A_10 = arith.constant 8 : i32
    %scan3A_11 = arith.addi %scan3A_9, %scan3A_10 : i32
    %scan3A_12 = arith.constant 1 : i32
    scf.for %scan3A_20 = %scan3A_9 to %scan3A_11 step %scan3A_12  : i32 {
      %dma_wait3A = arith.constant 0 : i32
      %dma_wait3A_21 = arith.constant 0 : i32
      %dma_wait3A_22 = tpu.memref_slice %arg6[%dma_wait3A, %dma_wait3A_21] : memref<80x125xi32, #tpu.memory_space<vmem>> -> memref<1x125xi32, #tpu.memory_space<vmem>>
      %dma_wait3A_23 = tpu.memref_squeeze %dma_wait3A_22 : memref<1x125xi32, #tpu.memory_space<vmem>> -> memref<125xi32, #tpu.memory_space<vmem>>
      %dma_wait3A_24 = arith.constant 0 : i32
      %dma_wait3A_25 = arith.constant 0 : i32
      %dma_wait3A_26 = tpu.memref_slice %arg8[%dma_wait3A_24, %dma_wait3A_25] : memref<10112x8xf32, #tpu.memory_space<vmem_shared>> -> memref<10112x8xf32, #tpu.memory_space<vmem_shared>>
      tpu.wait_indirect_dma semaphore(%arg9 : memref<!tpu.dma_semaphore, #tpu.memory_space<semaphore_mem>>) src(%arg7 : memref<125x8xf32, #tpu.memory_space<vmem>>) dst(%dma_wait3A_26 : memref<10112x8xf32, #tpu.memory_space<vmem_shared>>)
    }
    %scan3A_13 = arith.constant 8 : i32
    %barrier3A_14 = arith.constant 0 : index
    tpu.barrier barrier_id(%barrier3A_14)
    %eq3A_15 = arith.constant 0 : i32
    %eq3A_16 = arith.cmpi eq, %arg1, %eq3A_15 : i32
    %convert_element_type3A_17 = arith.extui %eq3A_16 : i1 to i32
    %cond3A_18 = arith.constant 0 : i32
    %cond3A_19 = arith.cmpi ne, %convert_element_type3A_17, %cond3A_18 : i32
    scf.if %cond3A_19 {
      "tpu.region"() ({
        %run_scoped3A_20 = tpu.sem_alloc : memref<!tpu.dma_semaphore, #tpu.memory_space<semaphore_mem>>
        %dma_start3A = arith.constant 0 : i32
        %dma_start3A_21 = arith.constant 0 : i32
        %dma_start3A_22 = tpu.memref_slice %arg5[%arg0, %dma_start3A, %dma_start3A_21] : memref<2x10112x8xf32, #tpu.memory_space<hbm>> -> memref<1x10112x8xf32, #tpu.memory_space<hbm>>
        %dma_start3A_23 = tpu.memref_squeeze %dma_start3A_22 : memref<1x10112x8xf32, #tpu.memory_space<hbm>> -> memref<10112x8xf32, #tpu.memory_space<hbm>>
        tpu.enqueue_dma source(%arg8 : memref<10112x8xf32, #tpu.memory_space<vmem_shared>>) target(%dma_start3A_23 : memref<10112x8xf32, #tpu.memory_space<hbm>>) target_semaphore(%run_scoped3A_20 : memref<!tpu.dma_semaphore, #tpu.memory_space<semaphore_mem>>)
        %dma_wait3A = arith.constant 0 : i32
        %dma_wait3A_24 = arith.constant 0 : i32
        %dma_wait3A_25 = tpu.memref_slice %arg5[%arg0, %dma_wait3A, %dma_wait3A_24] : memref<2x10112x8xf32, #tpu.memory_space<hbm>> -> memref<1x10112x8xf32, #tpu.memory_space<hbm>>
        %dma_wait3A_26 = tpu.memref_squeeze %dma_wait3A_25 : memref<1x10112x8xf32, #tpu.memory_space<hbm>> -> memref<10112x8xf32, #tpu.memory_space<hbm>>
        tpu.wait_dma2 semaphore(%run_scoped3A_20 : memref<!tpu.dma_semaphore, #tpu.memory_space<semaphore_mem>>) src(%arg8 : memref<10112x8xf32, #tpu.memory_space<vmem_shared>>) dst(%dma_wait3A_26 : memref<10112x8xf32, #tpu.memory_space<hbm>>)
        tpu.yield
      }) : () -> ()
    } else {
    }
    return
  }
}

#map = affine_map<(d0, d1) -> (0, 0)>
#map1 = affine_map<(d0, d1) -> (0, 0, 0, 0)>
#map2 = affine_map<(d0, d1) -> (0, 0, 0)>
module attributes {stable_mosaic.version = 14 : i64} {
  func.func @_sc_scatter(%arg0: i32, %arg1: i32, %arg2: memref<10112x64xf32, #tpu.memory_space<hbm>>, %arg3: memref<2x32x80x125xi32, #tpu.memory_space<hbm>>, %arg4: memref<10112x64xf32, #tpu.memory_space<hbm>>, %arg5: memref<2x10112x64xf32, #tpu.memory_space<hbm>>, %arg6: memref<80x125xi32, #tpu.memory_space<vmem>>, %arg7: memref<80x125xi32, #tpu.memory_space<vmem>>, %arg8: memref<4x125x64xf32, #tpu.memory_space<vmem>>, %arg9: memref<10112x64xf32, #tpu.memory_space<vmem_shared>>, %arg10: memref<!tpu.dma_semaphore, #tpu.memory_space<semaphore_mem>>, %arg11: memref<!tpu.dma_semaphore, #tpu.memory_space<semaphore_mem>>, %arg12: memref<!tpu.dma_semaphore, #tpu.memory_space<semaphore_mem>>, %arg13: memref<!tpu.dma_semaphore, #tpu.memory_space<semaphore_mem>>, %arg14: memref<!tpu.dma_semaphore, #tpu.memory_space<semaphore_mem>>, %arg15: memref<!tpu.dma_semaphore, #tpu.memory_space<semaphore_mem>>, %arg16: memref<!tpu.dma_semaphore, #tpu.memory_space<semaphore_mem>>, %arg17: memref<!tpu.dma_semaphore, #tpu.memory_space<semaphore_mem>>) attributes {dimension_semantics = [#tpu.dimension_semantics<core_parallel>, #tpu.dimension_semantics<subcore_parallel>], iteration_bounds = array<i64: 2, 16>, scalar_prefetch = 0 : i64, scratch_operands = 12 : i64, tpu.core_type = #tpu.core_type<sc_vector_subcore>, window_params = [{transform_indices = #map}, {transform_indices = #map1}, {transform_indices = #map}, {transform_indices = #map2}]} {
    %mul3A = arith.constant 16 : i32
    %mul3A_0 = arith.muli %arg0, %mul3A : i32
    %add3A = arith.addi %mul3A_0, %arg1 : i32
    %run_scoped3A = arith.constant 0 : i32
    "tpu.region"() ({
      %run_scoped3A_62 = tpu.sem_alloc : memref<!tpu.dma_semaphore, #tpu.memory_space<semaphore_mem>>
      %dma_start3A_63 = arith.constant 0 : i32
      %dma_start3A_64 = arith.constant 0 : i32
      %dma_start3A_65 = arith.constant 0 : i32
      %dma_start3A_66 = tpu.memref_slice %arg3[%run_scoped3A, %dma_start3A_63, %dma_start3A_64, %dma_start3A_65] : memref<2x32x80x125xi32, #tpu.memory_space<hbm>> -> memref<1x32x80x125xi32, #tpu.memory_space<hbm>>
      %dma_start3A_67 = tpu.memref_squeeze %dma_start3A_66 : memref<1x32x80x125xi32, #tpu.memory_space<hbm>> -> memref<32x80x125xi32, #tpu.memory_space<hbm>>
      %dma_start3A_68 = arith.constant 0 : i32
      %dma_start3A_69 = arith.constant 0 : i32
      %dma_start3A_70 = tpu.memref_slice %dma_start3A_67[%add3A, %dma_start3A_68, %dma_start3A_69] : memref<32x80x125xi32, #tpu.memory_space<hbm>> -> memref<1x80x125xi32, #tpu.memory_space<hbm>>
      %dma_start3A_71 = tpu.memref_squeeze %dma_start3A_70 : memref<1x80x125xi32, #tpu.memory_space<hbm>> -> memref<80x125xi32, #tpu.memory_space<hbm>>
      %dma_start3A_72 = arith.constant 0 : i32
      %dma_start3A_73 = arith.constant 0 : i32
      %dma_start3A_74 = arith.constant 0 : i32
      %dma_start3A_75 = tpu.memref_slice %arg3[%run_scoped3A, %dma_start3A_72, %dma_start3A_73, %dma_start3A_74] : memref<2x32x80x125xi32, #tpu.memory_space<hbm>> -> memref<1x32x80x125xi32, #tpu.memory_space<hbm>>
      %dma_start3A_76 = tpu.memref_squeeze %dma_start3A_75 : memref<1x32x80x125xi32, #tpu.memory_space<hbm>> -> memref<32x80x125xi32, #tpu.memory_space<hbm>>
      %dma_start3A_77 = arith.constant 0 : i32
      %dma_start3A_78 = arith.constant 0 : i32
      %dma_start3A_79 = tpu.memref_slice %dma_start3A_76[%add3A, %dma_start3A_77, %dma_start3A_78] : memref<32x80x125xi32, #tpu.memory_space<hbm>> -> memref<1x80x125xi32, #tpu.memory_space<hbm>>
      %dma_start3A_80 = tpu.memref_squeeze %dma_start3A_79 : memref<1x80x125xi32, #tpu.memory_space<hbm>> -> memref<80x125xi32, #tpu.memory_space<hbm>>
      tpu.enqueue_dma source(%dma_start3A_80 : memref<80x125xi32, #tpu.memory_space<hbm>>) target(%arg6 : memref<80x125xi32, #tpu.memory_space<vmem>>) target_semaphore(%run_scoped3A_62 : memref<!tpu.dma_semaphore, #tpu.memory_space<semaphore_mem>>)
      %dma_wait3A = arith.constant 0 : i32
      %dma_wait3A_81 = arith.constant 0 : i32
      %dma_wait3A_82 = arith.constant 0 : i32
      %dma_wait3A_83 = tpu.memref_slice %arg3[%run_scoped3A, %dma_wait3A, %dma_wait3A_81, %dma_wait3A_82] : memref<2x32x80x125xi32, #tpu.memory_space<hbm>> -> memref<1x32x80x125xi32, #tpu.memory_space<hbm>>
      %dma_wait3A_84 = tpu.memref_squeeze %dma_wait3A_83 : memref<1x32x80x125xi32, #tpu.memory_space<hbm>> -> memref<32x80x125xi32, #tpu.memory_space<hbm>>
      %dma_wait3A_85 = arith.constant 0 : i32
      %dma_wait3A_86 = arith.constant 0 : i32
      %dma_wait3A_87 = tpu.memref_slice %dma_wait3A_84[%add3A, %dma_wait3A_85, %dma_wait3A_86] : memref<32x80x125xi32, #tpu.memory_space<hbm>> -> memref<1x80x125xi32, #tpu.memory_space<hbm>>
      %dma_wait3A_88 = tpu.memref_squeeze %dma_wait3A_87 : memref<1x80x125xi32, #tpu.memory_space<hbm>> -> memref<80x125xi32, #tpu.memory_space<hbm>>
      %dma_wait3A_89 = arith.constant 0 : i32
      %dma_wait3A_90 = arith.constant 0 : i32
      %dma_wait3A_91 = arith.constant 0 : i32
      %dma_wait3A_92 = tpu.memref_slice %arg3[%run_scoped3A, %dma_wait3A_89, %dma_wait3A_90, %dma_wait3A_91] : memref<2x32x80x125xi32, #tpu.memory_space<hbm>> -> memref<1x32x80x125xi32, #tpu.memory_space<hbm>>
      %dma_wait3A_93 = tpu.memref_squeeze %dma_wait3A_92 : memref<1x32x80x125xi32, #tpu.memory_space<hbm>> -> memref<32x80x125xi32, #tpu.memory_space<hbm>>
      %dma_wait3A_94 = arith.constant 0 : i32
      %dma_wait3A_95 = arith.constant 0 : i32
      %dma_wait3A_96 = tpu.memref_slice %dma_wait3A_93[%add3A, %dma_wait3A_94, %dma_wait3A_95] : memref<32x80x125xi32, #tpu.memory_space<hbm>> -> memref<1x80x125xi32, #tpu.memory_space<hbm>>
      %dma_wait3A_97 = tpu.memref_squeeze %dma_wait3A_96 : memref<1x80x125xi32, #tpu.memory_space<hbm>> -> memref<80x125xi32, #tpu.memory_space<hbm>>
      tpu.wait_dma2 semaphore(%run_scoped3A_62 : memref<!tpu.dma_semaphore, #tpu.memory_space<semaphore_mem>>) src(%dma_wait3A_97 : memref<80x125xi32, #tpu.memory_space<hbm>>) dst(%arg6 : memref<80x125xi32, #tpu.memory_space<vmem>>)
      tpu.yield
    }) : () -> ()
    %run_scoped3A_1 = arith.constant 1 : i32
    "tpu.region"() ({
      %run_scoped3A_62 = tpu.sem_alloc : memref<!tpu.dma_semaphore, #tpu.memory_space<semaphore_mem>>
      %dma_start3A_63 = arith.constant 0 : i32
      %dma_start3A_64 = arith.constant 0 : i32
      %dma_start3A_65 = arith.constant 0 : i32
      %dma_start3A_66 = tpu.memref_slice %arg3[%run_scoped3A_1, %dma_start3A_63, %dma_start3A_64, %dma_start3A_65] : memref<2x32x80x125xi32, #tpu.memory_space<hbm>> -> memref<1x32x80x125xi32, #tpu.memory_space<hbm>>
      %dma_start3A_67 = tpu.memref_squeeze %dma_start3A_66 : memref<1x32x80x125xi32, #tpu.memory_space<hbm>> -> memref<32x80x125xi32, #tpu.memory_space<hbm>>
      %dma_start3A_68 = arith.constant 0 : i32
      %dma_start3A_69 = arith.constant 0 : i32
      %dma_start3A_70 = tpu.memref_slice %dma_start3A_67[%add3A, %dma_start3A_68, %dma_start3A_69] : memref<32x80x125xi32, #tpu.memory_space<hbm>> -> memref<1x80x125xi32, #tpu.memory_space<hbm>>
      %dma_start3A_71 = tpu.memref_squeeze %dma_start3A_70 : memref<1x80x125xi32, #tpu.memory_space<hbm>> -> memref<80x125xi32, #tpu.memory_space<hbm>>
      %dma_start3A_72 = arith.constant 0 : i32
      %dma_start3A_73 = arith.constant 0 : i32
      %dma_start3A_74 = arith.constant 0 : i32
      %dma_start3A_75 = tpu.memref_slice %arg3[%run_scoped3A_1, %dma_start3A_72, %dma_start3A_73, %dma_start3A_74] : memref<2x32x80x125xi32, #tpu.memory_space<hbm>> -> memref<1x32x80x125xi32, #tpu.memory_space<hbm>>
      %dma_start3A_76 = tpu.memref_squeeze %dma_start3A_75 : memref<1x32x80x125xi32, #tpu.memory_space<hbm>> -> memref<32x80x125xi32, #tpu.memory_space<hbm>>
      %dma_start3A_77 = arith.constant 0 : i32
      %dma_start3A_78 = arith.constant 0 : i32
      %dma_start3A_79 = tpu.memref_slice %dma_start3A_76[%add3A, %dma_start3A_77, %dma_start3A_78] : memref<32x80x125xi32, #tpu.memory_space<hbm>> -> memref<1x80x125xi32, #tpu.memory_space<hbm>>
      %dma_start3A_80 = tpu.memref_squeeze %dma_start3A_79 : memref<1x80x125xi32, #tpu.memory_space<hbm>> -> memref<80x125xi32, #tpu.memory_space<hbm>>
      tpu.enqueue_dma source(%dma_start3A_80 : memref<80x125xi32, #tpu.memory_space<hbm>>) target(%arg7 : memref<80x125xi32, #tpu.memory_space<vmem>>) target_semaphore(%run_scoped3A_62 : memref<!tpu.dma_semaphore, #tpu.memory_space<semaphore_mem>>)
      %dma_wait3A = arith.constant 0 : i32
      %dma_wait3A_81 = arith.constant 0 : i32
      %dma_wait3A_82 = arith.constant 0 : i32
      %dma_wait3A_83 = tpu.memref_slice %arg3[%run_scoped3A_1, %dma_wait3A, %dma_wait3A_81, %dma_wait3A_82] : memref<2x32x80x125xi32, #tpu.memory_space<hbm>> -> memref<1x32x80x125xi32, #tpu.memory_space<hbm>>
      %dma_wait3A_84 = tpu.memref_squeeze %dma_wait3A_83 : memref<1x32x80x125xi32, #tpu.memory_space<hbm>> -> memref<32x80x125xi32, #tpu.memory_space<hbm>>
      %dma_wait3A_85 = arith.constant 0 : i32
      %dma_wait3A_86 = arith.constant 0 : i32
      %dma_wait3A_87 = tpu.memref_slice %dma_wait3A_84[%add3A, %dma_wait3A_85, %dma_wait3A_86] : memref<32x80x125xi32, #tpu.memory_space<hbm>> -> memref<1x80x125xi32, #tpu.memory_space<hbm>>
      %dma_wait3A_88 = tpu.memref_squeeze %dma_wait3A_87 : memref<1x80x125xi32, #tpu.memory_space<hbm>> -> memref<80x125xi32, #tpu.memory_space<hbm>>
      %dma_wait3A_89 = arith.constant 0 : i32
      %dma_wait3A_90 = arith.constant 0 : i32
      %dma_wait3A_91 = arith.constant 0 : i32
      %dma_wait3A_92 = tpu.memref_slice %arg3[%run_scoped3A_1, %dma_wait3A_89, %dma_wait3A_90, %dma_wait3A_91] : memref<2x32x80x125xi32, #tpu.memory_space<hbm>> -> memref<1x32x80x125xi32, #tpu.memory_space<hbm>>
      %dma_wait3A_93 = tpu.memref_squeeze %dma_wait3A_92 : memref<1x32x80x125xi32, #tpu.memory_space<hbm>> -> memref<32x80x125xi32, #tpu.memory_space<hbm>>
      %dma_wait3A_94 = arith.constant 0 : i32
      %dma_wait3A_95 = arith.constant 0 : i32
      %dma_wait3A_96 = tpu.memref_slice %dma_wait3A_93[%add3A, %dma_wait3A_94, %dma_wait3A_95] : memref<32x80x125xi32, #tpu.memory_space<hbm>> -> memref<1x80x125xi32, #tpu.memory_space<hbm>>
      %dma_wait3A_97 = tpu.memref_squeeze %dma_wait3A_96 : memref<1x80x125xi32, #tpu.memory_space<hbm>> -> memref<80x125xi32, #tpu.memory_space<hbm>>
      tpu.wait_dma2 semaphore(%run_scoped3A_62 : memref<!tpu.dma_semaphore, #tpu.memory_space<semaphore_mem>>) src(%dma_wait3A_97 : memref<80x125xi32, #tpu.memory_space<hbm>>) dst(%arg7 : memref<80x125xi32, #tpu.memory_space<vmem>>)
      tpu.yield
    }) : () -> ()
    %eq3A = arith.constant 0 : i32
    %eq3A_2 = arith.cmpi eq, %arg1, %eq3A : i32
    %convert_element_type3A = arith.extui %eq3A_2 : i1 to i32
    %cond3A = arith.constant 0 : i32
    %cond3A_3 = arith.cmpi ne, %convert_element_type3A, %cond3A : i32
    scf.if %cond3A_3 {
      "tpu.region"() ({
        %run_scoped3A_62 = tpu.sem_alloc : memref<!tpu.dma_semaphore, #tpu.memory_space<semaphore_mem>>
        tpu.enqueue_dma source(%arg4 : memref<10112x64xf32, #tpu.memory_space<hbm>>) target(%arg9 : memref<10112x64xf32, #tpu.memory_space<vmem_shared>>) target_semaphore(%run_scoped3A_62 : memref<!tpu.dma_semaphore, #tpu.memory_space<semaphore_mem>>)
        tpu.wait_dma2 semaphore(%run_scoped3A_62 : memref<!tpu.dma_semaphore, #tpu.memory_space<semaphore_mem>>) src(%arg4 : memref<10112x64xf32, #tpu.memory_space<hbm>>) dst(%arg9 : memref<10112x64xf32, #tpu.memory_space<vmem_shared>>)
        tpu.yield
      }) : () -> ()
    } else {
    }
    %barrier3A = arith.constant 0 : index
    tpu.barrier barrier_id(%barrier3A)
    %dma_start3A = arith.constant 0 : i32
    %dma_start3A_4 = arith.constant 0 : i32
    %dma_start3A_5 = arith.constant 0 : i32
    %dma_start3A_6 = arith.constant 0 : i32
    %dma_start3A_7 = tpu.memref_slice %arg8[%dma_start3A_4, %dma_start3A_5, %dma_start3A_6] : memref<4x125x64xf32, #tpu.memory_space<vmem>> -> memref<1x125x64xf32, #tpu.memory_space<vmem>>
    %dma_start3A_8 = tpu.memref_squeeze %dma_start3A_7 : memref<1x125x64xf32, #tpu.memory_space<vmem>> -> memref<125x64xf32, #tpu.memory_space<vmem>>
    %dma_start3A_9 = arith.constant 0 : i32
    %dma_start3A_10 = tpu.memref_slice %arg6[%dma_start3A, %dma_start3A_9] : memref<80x125xi32, #tpu.memory_space<vmem>> -> memref<1x125xi32, #tpu.memory_space<vmem>>
    %dma_start3A_11 = tpu.memref_squeeze %dma_start3A_10 : memref<1x125xi32, #tpu.memory_space<vmem>> -> memref<125xi32, #tpu.memory_space<vmem>>
    %dma_start3A_12 = arith.constant 0 : i32
    %dma_start3A_13 = arith.constant 0 : i32
    %dma_start3A_14 = tpu.memref_slice %arg2[%dma_start3A_12, %dma_start3A_13] : memref<10112x64xf32, #tpu.memory_space<hbm>> -> memref<10112x64xf32, #tpu.memory_space<hbm>>
    tpu.enqueue_indirect_dma source(%dma_start3A_14 : memref<10112x64xf32, #tpu.memory_space<hbm>>) target(%dma_start3A_8 : memref<125x64xf32, #tpu.memory_space<vmem>>) offsets(%dma_start3A_11 : memref<125xi32, #tpu.memory_space<vmem>>) semaphore(%arg10 : memref<!tpu.dma_semaphore, #tpu.memory_space<semaphore_mem>>)
    %dma_start3A_15 = arith.constant 1 : i32
    %dma_start3A_16 = arith.constant 1 : i32
    %dma_start3A_17 = arith.constant 0 : i32
    %dma_start3A_18 = arith.constant 0 : i32
    %dma_start3A_19 = tpu.memref_slice %arg8[%dma_start3A_16, %dma_start3A_17, %dma_start3A_18] : memref<4x125x64xf32, #tpu.memory_space<vmem>> -> memref<1x125x64xf32, #tpu.memory_space<vmem>>
    %dma_start3A_20 = tpu.memref_squeeze %dma_start3A_19 : memref<1x125x64xf32, #tpu.memory_space<vmem>> -> memref<125x64xf32, #tpu.memory_space<vmem>>
    %dma_start3A_21 = arith.constant 0 : i32
    %dma_start3A_22 = tpu.memref_slice %arg6[%dma_start3A_15, %dma_start3A_21] : memref<80x125xi32, #tpu.memory_space<vmem>> -> memref<1x125xi32, #tpu.memory_space<vmem>>
    %dma_start3A_23 = tpu.memref_squeeze %dma_start3A_22 : memref<1x125xi32, #tpu.memory_space<vmem>> -> memref<125xi32, #tpu.memory_space<vmem>>
    %dma_start3A_24 = arith.constant 0 : i32
    %dma_start3A_25 = arith.constant 0 : i32
    %dma_start3A_26 = tpu.memref_slice %arg2[%dma_start3A_24, %dma_start3A_25] : memref<10112x64xf32, #tpu.memory_space<hbm>> -> memref<10112x64xf32, #tpu.memory_space<hbm>>
    tpu.enqueue_indirect_dma source(%dma_start3A_26 : memref<10112x64xf32, #tpu.memory_space<hbm>>) target(%dma_start3A_20 : memref<125x64xf32, #tpu.memory_space<vmem>>) offsets(%dma_start3A_23 : memref<125xi32, #tpu.memory_space<vmem>>) semaphore(%arg11 : memref<!tpu.dma_semaphore, #tpu.memory_space<semaphore_mem>>)
    %dma_start3A_27 = arith.constant 2 : i32
    %dma_start3A_28 = arith.constant 2 : i32
    %dma_start3A_29 = arith.constant 0 : i32
    %dma_start3A_30 = arith.constant 0 : i32
    %dma_start3A_31 = tpu.memref_slice %arg8[%dma_start3A_28, %dma_start3A_29, %dma_start3A_30] : memref<4x125x64xf32, #tpu.memory_space<vmem>> -> memref<1x125x64xf32, #tpu.memory_space<vmem>>
    %dma_start3A_32 = tpu.memref_squeeze %dma_start3A_31 : memref<1x125x64xf32, #tpu.memory_space<vmem>> -> memref<125x64xf32, #tpu.memory_space<vmem>>
    %dma_start3A_33 = arith.constant 0 : i32
    %dma_start3A_34 = tpu.memref_slice %arg6[%dma_start3A_27, %dma_start3A_33] : memref<80x125xi32, #tpu.memory_space<vmem>> -> memref<1x125xi32, #tpu.memory_space<vmem>>
    %dma_start3A_35 = tpu.memref_squeeze %dma_start3A_34 : memref<1x125xi32, #tpu.memory_space<vmem>> -> memref<125xi32, #tpu.memory_space<vmem>>
    %dma_start3A_36 = arith.constant 0 : i32
    %dma_start3A_37 = arith.constant 0 : i32
    %dma_start3A_38 = tpu.memref_slice %arg2[%dma_start3A_36, %dma_start3A_37] : memref<10112x64xf32, #tpu.memory_space<hbm>> -> memref<10112x64xf32, #tpu.memory_space<hbm>>
    tpu.enqueue_indirect_dma source(%dma_start3A_38 : memref<10112x64xf32, #tpu.memory_space<hbm>>) target(%dma_start3A_32 : memref<125x64xf32, #tpu.memory_space<vmem>>) offsets(%dma_start3A_35 : memref<125xi32, #tpu.memory_space<vmem>>) semaphore(%arg12 : memref<!tpu.dma_semaphore, #tpu.memory_space<semaphore_mem>>)
    %dma_start3A_39 = arith.constant 3 : i32
    %dma_start3A_40 = arith.constant 3 : i32
    %dma_start3A_41 = arith.constant 0 : i32
    %dma_start3A_42 = arith.constant 0 : i32
    %dma_start3A_43 = tpu.memref_slice %arg8[%dma_start3A_40, %dma_start3A_41, %dma_start3A_42] : memref<4x125x64xf32, #tpu.memory_space<vmem>> -> memref<1x125x64xf32, #tpu.memory_space<vmem>>
    %dma_start3A_44 = tpu.memref_squeeze %dma_start3A_43 : memref<1x125x64xf32, #tpu.memory_space<vmem>> -> memref<125x64xf32, #tpu.memory_space<vmem>>
    %dma_start3A_45 = arith.constant 0 : i32
    %dma_start3A_46 = tpu.memref_slice %arg6[%dma_start3A_39, %dma_start3A_45] : memref<80x125xi32, #tpu.memory_space<vmem>> -> memref<1x125xi32, #tpu.memory_space<vmem>>
    %dma_start3A_47 = tpu.memref_squeeze %dma_start3A_46 : memref<1x125xi32, #tpu.memory_space<vmem>> -> memref<125xi32, #tpu.memory_space<vmem>>
    %dma_start3A_48 = arith.constant 0 : i32
    %dma_start3A_49 = arith.constant 0 : i32
    %dma_start3A_50 = tpu.memref_slice %arg2[%dma_start3A_48, %dma_start3A_49] : memref<10112x64xf32, #tpu.memory_space<hbm>> -> memref<10112x64xf32, #tpu.memory_space<hbm>>
    tpu.enqueue_indirect_dma source(%dma_start3A_50 : memref<10112x64xf32, #tpu.memory_space<hbm>>) target(%dma_start3A_44 : memref<125x64xf32, #tpu.memory_space<vmem>>) offsets(%dma_start3A_47 : memref<125xi32, #tpu.memory_space<vmem>>) semaphore(%arg13 : memref<!tpu.dma_semaphore, #tpu.memory_space<semaphore_mem>>)
    %scan3A = arith.constant 0 : i32
    %scan3A_51 = arith.constant 0 : i32
    %scan3A_52 = arith.constant 20 : i32
    %scan3A_53 = arith.addi %scan3A_51, %scan3A_52 : i32
    %scan3A_54 = arith.constant 1 : i32
    scf.for %scan3A_62 = %scan3A_51 to %scan3A_53 step %scan3A_54  : i32 {
      %mul3A_63 = arith.constant 4 : i32
      %mul3A_64 = arith.muli %scan3A_62, %mul3A_63 : i32
      %add3A_65 = arith.constant 0 : i32
      %add3A_66 = arith.addi %mul3A_64, %add3A_65 : i32
      %dma_wait3A = arith.constant 0 : i32
      %dma_wait3A_67 = arith.constant 0 : i32
      %dma_wait3A_68 = arith.constant 0 : i32
      %dma_wait3A_69 = tpu.memref_slice %arg8[%dma_wait3A, %dma_wait3A_67, %dma_wait3A_68] : memref<4x125x64xf32, #tpu.memory_space<vmem>> -> memref<1x125x64xf32, #tpu.memory_space<vmem>>
      %dma_wait3A_70 = tpu.memref_squeeze %dma_wait3A_69 : memref<1x125x64xf32, #tpu.memory_space<vmem>> -> memref<125x64xf32, #tpu.memory_space<vmem>>
      %dma_wait3A_71 = arith.constant 0 : i32
      %dma_wait3A_72 = tpu.memref_slice %arg6[%add3A_66, %dma_wait3A_71] : memref<80x125xi32, #tpu.memory_space<vmem>> -> memref<1x125xi32, #tpu.memory_space<vmem>>
      %dma_wait3A_73 = tpu.memref_squeeze %dma_wait3A_72 : memref<1x125xi32, #tpu.memory_space<vmem>> -> memref<125xi32, #tpu.memory_space<vmem>>
      %dma_wait3A_74 = arith.constant 0 : i32
      %dma_wait3A_75 = arith.constant 0 : i32
      %dma_wait3A_76 = tpu.memref_slice %arg2[%dma_wait3A_74, %dma_wait3A_75] : memref<10112x64xf32, #tpu.memory_space<hbm>> -> memref<10112x64xf32, #tpu.memory_space<hbm>>
      tpu.wait_indirect_dma semaphore(%arg10 : memref<!tpu.dma_semaphore, #tpu.memory_space<semaphore_mem>>) src(%dma_wait3A_76 : memref<10112x64xf32, #tpu.memory_space<hbm>>) dst(%dma_wait3A_70 : memref<125x64xf32, #tpu.memory_space<vmem>>)
      %dma_start3A_77 = arith.constant 0 : i32
      %dma_start3A_78 = arith.constant 0 : i32
      %dma_start3A_79 = arith.constant 0 : i32
      %dma_start3A_80 = tpu.memref_slice %arg8[%dma_start3A_77, %dma_start3A_78, %dma_start3A_79] : memref<4x125x64xf32, #tpu.memory_space<vmem>> -> memref<1x125x64xf32, #tpu.memory_space<vmem>>
      %dma_start3A_81 = tpu.memref_squeeze %dma_start3A_80 : memref<1x125x64xf32, #tpu.memory_space<vmem>> -> memref<125x64xf32, #tpu.memory_space<vmem>>
      %dma_start3A_82 = arith.constant 0 : i32
      %dma_start3A_83 = tpu.memref_slice %arg7[%add3A_66, %dma_start3A_82] : memref<80x125xi32, #tpu.memory_space<vmem>> -> memref<1x125xi32, #tpu.memory_space<vmem>>
      %dma_start3A_84 = tpu.memref_squeeze %dma_start3A_83 : memref<1x125xi32, #tpu.memory_space<vmem>> -> memref<125xi32, #tpu.memory_space<vmem>>
      %dma_start3A_85 = arith.constant 0 : i32
      %dma_start3A_86 = arith.constant 0 : i32
      %dma_start3A_87 = tpu.memref_slice %arg9[%dma_start3A_85, %dma_start3A_86] : memref<10112x64xf32, #tpu.memory_space<vmem_shared>> -> memref<10112x64xf32, #tpu.memory_space<vmem_shared>>
      tpu.enqueue_indirect_dma source(%dma_start3A_81 : memref<125x64xf32, #tpu.memory_space<vmem>>) target(%dma_start3A_87 : memref<10112x64xf32, #tpu.memory_space<vmem_shared>>) offsets(%dma_start3A_84 : memref<125xi32, #tpu.memory_space<vmem>>) semaphore(%arg14 : memref<!tpu.dma_semaphore, #tpu.memory_space<semaphore_mem>>) {add = true}
      %dma_wait3A_88 = arith.constant 0 : i32
      %dma_wait3A_89 = arith.constant 0 : i32
      %dma_wait3A_90 = arith.constant 0 : i32
      %dma_wait3A_91 = tpu.memref_slice %arg8[%dma_wait3A_88, %dma_wait3A_89, %dma_wait3A_90] : memref<4x125x64xf32, #tpu.memory_space<vmem>> -> memref<1x125x64xf32, #tpu.memory_space<vmem>>
      %dma_wait3A_92 = tpu.memref_squeeze %dma_wait3A_91 : memref<1x125x64xf32, #tpu.memory_space<vmem>> -> memref<125x64xf32, #tpu.memory_space<vmem>>
      %dma_wait3A_93 = arith.constant 0 : i32
      %dma_wait3A_94 = tpu.memref_slice %arg7[%add3A_66, %dma_wait3A_93] : memref<80x125xi32, #tpu.memory_space<vmem>> -> memref<1x125xi32, #tpu.memory_space<vmem>>
      %dma_wait3A_95 = tpu.memref_squeeze %dma_wait3A_94 : memref<1x125xi32, #tpu.memory_space<vmem>> -> memref<125xi32, #tpu.memory_space<vmem>>
      %dma_wait3A_96 = arith.constant 0 : i32
      %dma_wait3A_97 = arith.constant 0 : i32
      %dma_wait3A_98 = tpu.memref_slice %arg9[%dma_wait3A_96, %dma_wait3A_97] : memref<10112x64xf32, #tpu.memory_space<vmem_shared>> -> memref<10112x64xf32, #tpu.memory_space<vmem_shared>>
      tpu.wait_indirect_dma semaphore(%arg14 : memref<!tpu.dma_semaphore, #tpu.memory_space<semaphore_mem>>) src(%dma_wait3A_92 : memref<125x64xf32, #tpu.memory_space<vmem>>) dst(%dma_wait3A_98 : memref<10112x64xf32, #tpu.memory_space<vmem_shared>>)
      %add3A_99 = arith.constant 4 : i32
      %add3A_100 = arith.addi %add3A_66, %add3A_99 : i32
      %lt3A = arith.constant 80 : i32
      %lt3A_101 = arith.cmpi slt, %add3A_100, %lt3A : i32
      %convert_element_type3A_102 = arith.extui %lt3A_101 : i1 to i32
      %cond3A_103 = arith.constant 0 : i32
      %cond3A_104 = arith.cmpi ne, %convert_element_type3A_102, %cond3A_103 : i32
      scf.if %cond3A_104 {
        %dma_start3A_237 = arith.constant 0 : i32
        %dma_start3A_238 = arith.constant 0 : i32
        %dma_start3A_239 = arith.constant 0 : i32
        %dma_start3A_240 = tpu.memref_slice %arg8[%dma_start3A_237, %dma_start3A_238, %dma_start3A_239] : memref<4x125x64xf32, #tpu.memory_space<vmem>> -> memref<1x125x64xf32, #tpu.memory_space<vmem>>
        %dma_start3A_241 = tpu.memref_squeeze %dma_start3A_240 : memref<1x125x64xf32, #tpu.memory_space<vmem>> -> memref<125x64xf32, #tpu.memory_space<vmem>>
        %dma_start3A_242 = arith.constant 0 : i32
        %dma_start3A_243 = tpu.memref_slice %arg6[%add3A_100, %dma_start3A_242] : memref<80x125xi32, #tpu.memory_space<vmem>> -> memref<1x125xi32, #tpu.memory_space<vmem>>
        %dma_start3A_244 = tpu.memref_squeeze %dma_start3A_243 : memref<1x125xi32, #tpu.memory_space<vmem>> -> memref<125xi32, #tpu.memory_space<vmem>>
        %dma_start3A_245 = arith.constant 0 : i32
        %dma_start3A_246 = arith.constant 0 : i32
        %dma_start3A_247 = tpu.memref_slice %arg2[%dma_start3A_245, %dma_start3A_246] : memref<10112x64xf32, #tpu.memory_space<hbm>> -> memref<10112x64xf32, #tpu.memory_space<hbm>>
        tpu.enqueue_indirect_dma source(%dma_start3A_247 : memref<10112x64xf32, #tpu.memory_space<hbm>>) target(%dma_start3A_241 : memref<125x64xf32, #tpu.memory_space<vmem>>) offsets(%dma_start3A_244 : memref<125xi32, #tpu.memory_space<vmem>>) semaphore(%arg10 : memref<!tpu.dma_semaphore, #tpu.memory_space<semaphore_mem>>)
      } else {
      }
      %mul3A_105 = arith.constant 4 : i32
      %mul3A_106 = arith.muli %scan3A_62, %mul3A_105 : i32
      %add3A_107 = arith.constant 1 : i32
      %add3A_108 = arith.addi %mul3A_106, %add3A_107 : i32
      %dma_wait3A_109 = arith.constant 1 : i32
      %dma_wait3A_110 = arith.constant 0 : i32
      %dma_wait3A_111 = arith.constant 0 : i32
      %dma_wait3A_112 = tpu.memref_slice %arg8[%dma_wait3A_109, %dma_wait3A_110, %dma_wait3A_111] : memref<4x125x64xf32, #tpu.memory_space<vmem>> -> memref<1x125x64xf32, #tpu.memory_space<vmem>>
      %dma_wait3A_113 = tpu.memref_squeeze %dma_wait3A_112 : memref<1x125x64xf32, #tpu.memory_space<vmem>> -> memref<125x64xf32, #tpu.memory_space<vmem>>
      %dma_wait3A_114 = arith.constant 0 : i32
      %dma_wait3A_115 = tpu.memref_slice %arg6[%add3A_108, %dma_wait3A_114] : memref<80x125xi32, #tpu.memory_space<vmem>> -> memref<1x125xi32, #tpu.memory_space<vmem>>
      %dma_wait3A_116 = tpu.memref_squeeze %dma_wait3A_115 : memref<1x125xi32, #tpu.memory_space<vmem>> -> memref<125xi32, #tpu.memory_space<vmem>>
      %dma_wait3A_117 = arith.constant 0 : i32
      %dma_wait3A_118 = arith.constant 0 : i32
      %dma_wait3A_119 = tpu.memref_slice %arg2[%dma_wait3A_117, %dma_wait3A_118] : memref<10112x64xf32, #tpu.memory_space<hbm>> -> memref<10112x64xf32, #tpu.memory_space<hbm>>
      tpu.wait_indirect_dma semaphore(%arg11 : memref<!tpu.dma_semaphore, #tpu.memory_space<semaphore_mem>>) src(%dma_wait3A_119 : memref<10112x64xf32, #tpu.memory_space<hbm>>) dst(%dma_wait3A_113 : memref<125x64xf32, #tpu.memory_space<vmem>>)
      %dma_start3A_120 = arith.constant 1 : i32
      %dma_start3A_121 = arith.constant 0 : i32
      %dma_start3A_122 = arith.constant 0 : i32
      %dma_start3A_123 = tpu.memref_slice %arg8[%dma_start3A_120, %dma_start3A_121, %dma_start3A_122] : memref<4x125x64xf32, #tpu.memory_space<vmem>> -> memref<1x125x64xf32, #tpu.memory_space<vmem>>
      %dma_start3A_124 = tpu.memref_squeeze %dma_start3A_123 : memref<1x125x64xf32, #tpu.memory_space<vmem>> -> memref<125x64xf32, #tpu.memory_space<vmem>>
      %dma_start3A_125 = arith.constant 0 : i32
      %dma_start3A_126 = tpu.memref_slice %arg7[%add3A_108, %dma_start3A_125] : memref<80x125xi32, #tpu.memory_space<vmem>> -> memref<1x125xi32, #tpu.memory_space<vmem>>
      %dma_start3A_127 = tpu.memref_squeeze %dma_start3A_126 : memref<1x125xi32, #tpu.memory_space<vmem>> -> memref<125xi32, #tpu.memory_space<vmem>>
      %dma_start3A_128 = arith.constant 0 : i32
      %dma_start3A_129 = arith.constant 0 : i32
      %dma_start3A_130 = tpu.memref_slice %arg9[%dma_start3A_128, %dma_start3A_129] : memref<10112x64xf32, #tpu.memory_space<vmem_shared>> -> memref<10112x64xf32, #tpu.memory_space<vmem_shared>>
      tpu.enqueue_indirect_dma source(%dma_start3A_124 : memref<125x64xf32, #tpu.memory_space<vmem>>) target(%dma_start3A_130 : memref<10112x64xf32, #tpu.memory_space<vmem_shared>>) offsets(%dma_start3A_127 : memref<125xi32, #tpu.memory_space<vmem>>) semaphore(%arg15 : memref<!tpu.dma_semaphore, #tpu.memory_space<semaphore_mem>>) {add = true}
      %dma_wait3A_131 = arith.constant 1 : i32
      %dma_wait3A_132 = arith.constant 0 : i32
      %dma_wait3A_133 = arith.constant 0 : i32
      %dma_wait3A_134 = tpu.memref_slice %arg8[%dma_wait3A_131, %dma_wait3A_132, %dma_wait3A_133] : memref<4x125x64xf32, #tpu.memory_space<vmem>> -> memref<1x125x64xf32, #tpu.memory_space<vmem>>
      %dma_wait3A_135 = tpu.memref_squeeze %dma_wait3A_134 : memref<1x125x64xf32, #tpu.memory_space<vmem>> -> memref<125x64xf32, #tpu.memory_space<vmem>>
      %dma_wait3A_136 = arith.constant 0 : i32
      %dma_wait3A_137 = tpu.memref_slice %arg7[%add3A_108, %dma_wait3A_136] : memref<80x125xi32, #tpu.memory_space<vmem>> -> memref<1x125xi32, #tpu.memory_space<vmem>>
      %dma_wait3A_138 = tpu.memref_squeeze %dma_wait3A_137 : memref<1x125xi32, #tpu.memory_space<vmem>> -> memref<125xi32, #tpu.memory_space<vmem>>
      %dma_wait3A_139 = arith.constant 0 : i32
      %dma_wait3A_140 = arith.constant 0 : i32
      %dma_wait3A_141 = tpu.memref_slice %arg9[%dma_wait3A_139, %dma_wait3A_140] : memref<10112x64xf32, #tpu.memory_space<vmem_shared>> -> memref<10112x64xf32, #tpu.memory_space<vmem_shared>>
      tpu.wait_indirect_dma semaphore(%arg15 : memref<!tpu.dma_semaphore, #tpu.memory_space<semaphore_mem>>) src(%dma_wait3A_135 : memref<125x64xf32, #tpu.memory_space<vmem>>) dst(%dma_wait3A_141 : memref<10112x64xf32, #tpu.memory_space<vmem_shared>>)
      %add3A_142 = arith.constant 4 : i32
      %add3A_143 = arith.addi %add3A_108, %add3A_142 : i32
      %lt3A_144 = arith.constant 80 : i32
      %lt3A_145 = arith.cmpi slt, %add3A_143, %lt3A_144 : i32
      %convert_element_type3A_146 = arith.extui %lt3A_145 : i1 to i32
      %cond3A_147 = arith.constant 0 : i32
      %cond3A_148 = arith.cmpi ne, %convert_element_type3A_146, %cond3A_147 : i32
      scf.if %cond3A_148 {
        %dma_start3A_237 = arith.constant 1 : i32
        %dma_start3A_238 = arith.constant 0 : i32
        %dma_start3A_239 = arith.constant 0 : i32
        %dma_start3A_240 = tpu.memref_slice %arg8[%dma_start3A_237, %dma_start3A_238, %dma_start3A_239] : memref<4x125x64xf32, #tpu.memory_space<vmem>> -> memref<1x125x64xf32, #tpu.memory_space<vmem>>
        %dma_start3A_241 = tpu.memref_squeeze %dma_start3A_240 : memref<1x125x64xf32, #tpu.memory_space<vmem>> -> memref<125x64xf32, #tpu.memory_space<vmem>>
        %dma_start3A_242 = arith.constant 0 : i32
        %dma_start3A_243 = tpu.memref_slice %arg6[%add3A_143, %dma_start3A_242] : memref<80x125xi32, #tpu.memory_space<vmem>> -> memref<1x125xi32, #tpu.memory_space<vmem>>
        %dma_start3A_244 = tpu.memref_squeeze %dma_start3A_243 : memref<1x125xi32, #tpu.memory_space<vmem>> -> memref<125xi32, #tpu.memory_space<vmem>>
        %dma_start3A_245 = arith.constant 0 : i32
        %dma_start3A_246 = arith.constant 0 : i32
        %dma_start3A_247 = tpu.memref_slice %arg2[%dma_start3A_245, %dma_start3A_246] : memref<10112x64xf32, #tpu.memory_space<hbm>> -> memref<10112x64xf32, #tpu.memory_space<hbm>>
        tpu.enqueue_indirect_dma source(%dma_start3A_247 : memref<10112x64xf32, #tpu.memory_space<hbm>>) target(%dma_start3A_241 : memref<125x64xf32, #tpu.memory_space<vmem>>) offsets(%dma_start3A_244 : memref<125xi32, #tpu.memory_space<vmem>>) semaphore(%arg11 : memref<!tpu.dma_semaphore, #tpu.memory_space<semaphore_mem>>)
      } else {
      }
      %mul3A_149 = arith.constant 4 : i32
      %mul3A_150 = arith.muli %scan3A_62, %mul3A_149 : i32
      %add3A_151 = arith.constant 2 : i32
      %add3A_152 = arith.addi %mul3A_150, %add3A_151 : i32
      %dma_wait3A_153 = arith.constant 2 : i32
      %dma_wait3A_154 = arith.constant 0 : i32
      %dma_wait3A_155 = arith.constant 0 : i32
      %dma_wait3A_156 = tpu.memref_slice %arg8[%dma_wait3A_153, %dma_wait3A_154, %dma_wait3A_155] : memref<4x125x64xf32, #tpu.memory_space<vmem>> -> memref<1x125x64xf32, #tpu.memory_space<vmem>>
      %dma_wait3A_157 = tpu.memref_squeeze %dma_wait3A_156 : memref<1x125x64xf32, #tpu.memory_space<vmem>> -> memref<125x64xf32, #tpu.memory_space<vmem>>
      %dma_wait3A_158 = arith.constant 0 : i32
      %dma_wait3A_159 = tpu.memref_slice %arg6[%add3A_152, %dma_wait3A_158] : memref<80x125xi32, #tpu.memory_space<vmem>> -> memref<1x125xi32, #tpu.memory_space<vmem>>
      %dma_wait3A_160 = tpu.memref_squeeze %dma_wait3A_159 : memref<1x125xi32, #tpu.memory_space<vmem>> -> memref<125xi32, #tpu.memory_space<vmem>>
      %dma_wait3A_161 = arith.constant 0 : i32
      %dma_wait3A_162 = arith.constant 0 : i32
      %dma_wait3A_163 = tpu.memref_slice %arg2[%dma_wait3A_161, %dma_wait3A_162] : memref<10112x64xf32, #tpu.memory_space<hbm>> -> memref<10112x64xf32, #tpu.memory_space<hbm>>
      tpu.wait_indirect_dma semaphore(%arg12 : memref<!tpu.dma_semaphore, #tpu.memory_space<semaphore_mem>>) src(%dma_wait3A_163 : memref<10112x64xf32, #tpu.memory_space<hbm>>) dst(%dma_wait3A_157 : memref<125x64xf32, #tpu.memory_space<vmem>>)
      %dma_start3A_164 = arith.constant 2 : i32
      %dma_start3A_165 = arith.constant 0 : i32
      %dma_start3A_166 = arith.constant 0 : i32
      %dma_start3A_167 = tpu.memref_slice %arg8[%dma_start3A_164, %dma_start3A_165, %dma_start3A_166] : memref<4x125x64xf32, #tpu.memory_space<vmem>> -> memref<1x125x64xf32, #tpu.memory_space<vmem>>
      %dma_start3A_168 = tpu.memref_squeeze %dma_start3A_167 : memref<1x125x64xf32, #tpu.memory_space<vmem>> -> memref<125x64xf32, #tpu.memory_space<vmem>>
      %dma_start3A_169 = arith.constant 0 : i32
      %dma_start3A_170 = tpu.memref_slice %arg7[%add3A_152, %dma_start3A_169] : memref<80x125xi32, #tpu.memory_space<vmem>> -> memref<1x125xi32, #tpu.memory_space<vmem>>
      %dma_start3A_171 = tpu.memref_squeeze %dma_start3A_170 : memref<1x125xi32, #tpu.memory_space<vmem>> -> memref<125xi32, #tpu.memory_space<vmem>>
      %dma_start3A_172 = arith.constant 0 : i32
      %dma_start3A_173 = arith.constant 0 : i32
      %dma_start3A_174 = tpu.memref_slice %arg9[%dma_start3A_172, %dma_start3A_173] : memref<10112x64xf32, #tpu.memory_space<vmem_shared>> -> memref<10112x64xf32, #tpu.memory_space<vmem_shared>>
      tpu.enqueue_indirect_dma source(%dma_start3A_168 : memref<125x64xf32, #tpu.memory_space<vmem>>) target(%dma_start3A_174 : memref<10112x64xf32, #tpu.memory_space<vmem_shared>>) offsets(%dma_start3A_171 : memref<125xi32, #tpu.memory_space<vmem>>) semaphore(%arg16 : memref<!tpu.dma_semaphore, #tpu.memory_space<semaphore_mem>>) {add = true}
      %dma_wait3A_175 = arith.constant 2 : i32
      %dma_wait3A_176 = arith.constant 0 : i32
      %dma_wait3A_177 = arith.constant 0 : i32
      %dma_wait3A_178 = tpu.memref_slice %arg8[%dma_wait3A_175, %dma_wait3A_176, %dma_wait3A_177] : memref<4x125x64xf32, #tpu.memory_space<vmem>> -> memref<1x125x64xf32, #tpu.memory_space<vmem>>
      %dma_wait3A_179 = tpu.memref_squeeze %dma_wait3A_178 : memref<1x125x64xf32, #tpu.memory_space<vmem>> -> memref<125x64xf32, #tpu.memory_space<vmem>>
      %dma_wait3A_180 = arith.constant 0 : i32
      %dma_wait3A_181 = tpu.memref_slice %arg7[%add3A_152, %dma_wait3A_180] : memref<80x125xi32, #tpu.memory_space<vmem>> -> memref<1x125xi32, #tpu.memory_space<vmem>>
      %dma_wait3A_182 = tpu.memref_squeeze %dma_wait3A_181 : memref<1x125xi32, #tpu.memory_space<vmem>> -> memref<125xi32, #tpu.memory_space<vmem>>
      %dma_wait3A_183 = arith.constant 0 : i32
      %dma_wait3A_184 = arith.constant 0 : i32
      %dma_wait3A_185 = tpu.memref_slice %arg9[%dma_wait3A_183, %dma_wait3A_184] : memref<10112x64xf32, #tpu.memory_space<vmem_shared>> -> memref<10112x64xf32, #tpu.memory_space<vmem_shared>>
      tpu.wait_indirect_dma semaphore(%arg16 : memref<!tpu.dma_semaphore, #tpu.memory_space<semaphore_mem>>) src(%dma_wait3A_179 : memref<125x64xf32, #tpu.memory_space<vmem>>) dst(%dma_wait3A_185 : memref<10112x64xf32, #tpu.memory_space<vmem_shared>>)
      %add3A_186 = arith.constant 4 : i32
      %add3A_187 = arith.addi %add3A_152, %add3A_186 : i32
      %lt3A_188 = arith.constant 80 : i32
      %lt3A_189 = arith.cmpi slt, %add3A_187, %lt3A_188 : i32
      %convert_element_type3A_190 = arith.extui %lt3A_189 : i1 to i32
      %cond3A_191 = arith.constant 0 : i32
      %cond3A_192 = arith.cmpi ne, %convert_element_type3A_190, %cond3A_191 : i32
      scf.if %cond3A_192 {
        %dma_start3A_237 = arith.constant 2 : i32
        %dma_start3A_238 = arith.constant 0 : i32
        %dma_start3A_239 = arith.constant 0 : i32
        %dma_start3A_240 = tpu.memref_slice %arg8[%dma_start3A_237, %dma_start3A_238, %dma_start3A_239] : memref<4x125x64xf32, #tpu.memory_space<vmem>> -> memref<1x125x64xf32, #tpu.memory_space<vmem>>
        %dma_start3A_241 = tpu.memref_squeeze %dma_start3A_240 : memref<1x125x64xf32, #tpu.memory_space<vmem>> -> memref<125x64xf32, #tpu.memory_space<vmem>>
        %dma_start3A_242 = arith.constant 0 : i32
        %dma_start3A_243 = tpu.memref_slice %arg6[%add3A_187, %dma_start3A_242] : memref<80x125xi32, #tpu.memory_space<vmem>> -> memref<1x125xi32, #tpu.memory_space<vmem>>
        %dma_start3A_244 = tpu.memref_squeeze %dma_start3A_243 : memref<1x125xi32, #tpu.memory_space<vmem>> -> memref<125xi32, #tpu.memory_space<vmem>>
        %dma_start3A_245 = arith.constant 0 : i32
        %dma_start3A_246 = arith.constant 0 : i32
        %dma_start3A_247 = tpu.memref_slice %arg2[%dma_start3A_245, %dma_start3A_246] : memref<10112x64xf32, #tpu.memory_space<hbm>> -> memref<10112x64xf32, #tpu.memory_space<hbm>>
        tpu.enqueue_indirect_dma source(%dma_start3A_247 : memref<10112x64xf32, #tpu.memory_space<hbm>>) target(%dma_start3A_241 : memref<125x64xf32, #tpu.memory_space<vmem>>) offsets(%dma_start3A_244 : memref<125xi32, #tpu.memory_space<vmem>>) semaphore(%arg12 : memref<!tpu.dma_semaphore, #tpu.memory_space<semaphore_mem>>)
      } else {
      }
      %mul3A_193 = arith.constant 4 : i32
      %mul3A_194 = arith.muli %scan3A_62, %mul3A_193 : i32
      %add3A_195 = arith.constant 3 : i32
      %add3A_196 = arith.addi %mul3A_194, %add3A_195 : i32
      %dma_wait3A_197 = arith.constant 3 : i32
      %dma_wait3A_198 = arith.constant 0 : i32
      %dma_wait3A_199 = arith.constant 0 : i32
      %dma_wait3A_200 = tpu.memref_slice %arg8[%dma_wait3A_197, %dma_wait3A_198, %dma_wait3A_199] : memref<4x125x64xf32, #tpu.memory_space<vmem>> -> memref<1x125x64xf32, #tpu.memory_space<vmem>>
      %dma_wait3A_201 = tpu.memref_squeeze %dma_wait3A_200 : memref<1x125x64xf32, #tpu.memory_space<vmem>> -> memref<125x64xf32, #tpu.memory_space<vmem>>
      %dma_wait3A_202 = arith.constant 0 : i32
      %dma_wait3A_203 = tpu.memref_slice %arg6[%add3A_196, %dma_wait3A_202] : memref<80x125xi32, #tpu.memory_space<vmem>> -> memref<1x125xi32, #tpu.memory_space<vmem>>
      %dma_wait3A_204 = tpu.memref_squeeze %dma_wait3A_203 : memref<1x125xi32, #tpu.memory_space<vmem>> -> memref<125xi32, #tpu.memory_space<vmem>>
      %dma_wait3A_205 = arith.constant 0 : i32
      %dma_wait3A_206 = arith.constant 0 : i32
      %dma_wait3A_207 = tpu.memref_slice %arg2[%dma_wait3A_205, %dma_wait3A_206] : memref<10112x64xf32, #tpu.memory_space<hbm>> -> memref<10112x64xf32, #tpu.memory_space<hbm>>
      tpu.wait_indirect_dma semaphore(%arg13 : memref<!tpu.dma_semaphore, #tpu.memory_space<semaphore_mem>>) src(%dma_wait3A_207 : memref<10112x64xf32, #tpu.memory_space<hbm>>) dst(%dma_wait3A_201 : memref<125x64xf32, #tpu.memory_space<vmem>>)
      %dma_start3A_208 = arith.constant 3 : i32
      %dma_start3A_209 = arith.constant 0 : i32
      %dma_start3A_210 = arith.constant 0 : i32
      %dma_start3A_211 = tpu.memref_slice %arg8[%dma_start3A_208, %dma_start3A_209, %dma_start3A_210] : memref<4x125x64xf32, #tpu.memory_space<vmem>> -> memref<1x125x64xf32, #tpu.memory_space<vmem>>
      %dma_start3A_212 = tpu.memref_squeeze %dma_start3A_211 : memref<1x125x64xf32, #tpu.memory_space<vmem>> -> memref<125x64xf32, #tpu.memory_space<vmem>>
      %dma_start3A_213 = arith.constant 0 : i32
      %dma_start3A_214 = tpu.memref_slice %arg7[%add3A_196, %dma_start3A_213] : memref<80x125xi32, #tpu.memory_space<vmem>> -> memref<1x125xi32, #tpu.memory_space<vmem>>
      %dma_start3A_215 = tpu.memref_squeeze %dma_start3A_214 : memref<1x125xi32, #tpu.memory_space<vmem>> -> memref<125xi32, #tpu.memory_space<vmem>>
      %dma_start3A_216 = arith.constant 0 : i32
      %dma_start3A_217 = arith.constant 0 : i32
      %dma_start3A_218 = tpu.memref_slice %arg9[%dma_start3A_216, %dma_start3A_217] : memref<10112x64xf32, #tpu.memory_space<vmem_shared>> -> memref<10112x64xf32, #tpu.memory_space<vmem_shared>>
      tpu.enqueue_indirect_dma source(%dma_start3A_212 : memref<125x64xf32, #tpu.memory_space<vmem>>) target(%dma_start3A_218 : memref<10112x64xf32, #tpu.memory_space<vmem_shared>>) offsets(%dma_start3A_215 : memref<125xi32, #tpu.memory_space<vmem>>) semaphore(%arg17 : memref<!tpu.dma_semaphore, #tpu.memory_space<semaphore_mem>>) {add = true}
      %dma_wait3A_219 = arith.constant 3 : i32
      %dma_wait3A_220 = arith.constant 0 : i32
      %dma_wait3A_221 = arith.constant 0 : i32
      %dma_wait3A_222 = tpu.memref_slice %arg8[%dma_wait3A_219, %dma_wait3A_220, %dma_wait3A_221] : memref<4x125x64xf32, #tpu.memory_space<vmem>> -> memref<1x125x64xf32, #tpu.memory_space<vmem>>
      %dma_wait3A_223 = tpu.memref_squeeze %dma_wait3A_222 : memref<1x125x64xf32, #tpu.memory_space<vmem>> -> memref<125x64xf32, #tpu.memory_space<vmem>>
      %dma_wait3A_224 = arith.constant 0 : i32
      %dma_wait3A_225 = tpu.memref_slice %arg7[%add3A_196, %dma_wait3A_224] : memref<80x125xi32, #tpu.memory_space<vmem>> -> memref<1x125xi32, #tpu.memory_space<vmem>>
      %dma_wait3A_226 = tpu.memref_squeeze %dma_wait3A_225 : memref<1x125xi32, #tpu.memory_space<vmem>> -> memref<125xi32, #tpu.memory_space<vmem>>
      %dma_wait3A_227 = arith.constant 0 : i32
      %dma_wait3A_228 = arith.constant 0 : i32
      %dma_wait3A_229 = tpu.memref_slice %arg9[%dma_wait3A_227, %dma_wait3A_228] : memref<10112x64xf32, #tpu.memory_space<vmem_shared>> -> memref<10112x64xf32, #tpu.memory_space<vmem_shared>>
      tpu.wait_indirect_dma semaphore(%arg17 : memref<!tpu.dma_semaphore, #tpu.memory_space<semaphore_mem>>) src(%dma_wait3A_223 : memref<125x64xf32, #tpu.memory_space<vmem>>) dst(%dma_wait3A_229 : memref<10112x64xf32, #tpu.memory_space<vmem_shared>>)
      %add3A_230 = arith.constant 4 : i32
      %add3A_231 = arith.addi %add3A_196, %add3A_230 : i32
      %lt3A_232 = arith.constant 80 : i32
      %lt3A_233 = arith.cmpi slt, %add3A_231, %lt3A_232 : i32
      %convert_element_type3A_234 = arith.extui %lt3A_233 : i1 to i32
      %cond3A_235 = arith.constant 0 : i32
      %cond3A_236 = arith.cmpi ne, %convert_element_type3A_234, %cond3A_235 : i32
      scf.if %cond3A_236 {
        %dma_start3A_237 = arith.constant 3 : i32
        %dma_start3A_238 = arith.constant 0 : i32
        %dma_start3A_239 = arith.constant 0 : i32
        %dma_start3A_240 = tpu.memref_slice %arg8[%dma_start3A_237, %dma_start3A_238, %dma_start3A_239] : memref<4x125x64xf32, #tpu.memory_space<vmem>> -> memref<1x125x64xf32, #tpu.memory_space<vmem>>
        %dma_start3A_241 = tpu.memref_squeeze %dma_start3A_240 : memref<1x125x64xf32, #tpu.memory_space<vmem>> -> memref<125x64xf32, #tpu.memory_space<vmem>>
        %dma_start3A_242 = arith.constant 0 : i32
        %dma_start3A_243 = tpu.memref_slice %arg6[%add3A_231, %dma_start3A_242] : memref<80x125xi32, #tpu.memory_space<vmem>> -> memref<1x125xi32, #tpu.memory_space<vmem>>
        %dma_start3A_244 = tpu.memref_squeeze %dma_start3A_243 : memref<1x125xi32, #tpu.memory_space<vmem>> -> memref<125xi32, #tpu.memory_space<vmem>>
        %dma_start3A_245 = arith.constant 0 : i32
        %dma_start3A_246 = arith.constant 0 : i32
        %dma_start3A_247 = tpu.memref_slice %arg2[%dma_start3A_245, %dma_start3A_246] : memref<10112x64xf32, #tpu.memory_space<hbm>> -> memref<10112x64xf32, #tpu.memory_space<hbm>>
        tpu.enqueue_indirect_dma source(%dma_start3A_247 : memref<10112x64xf32, #tpu.memory_space<hbm>>) target(%dma_start3A_241 : memref<125x64xf32, #tpu.memory_space<vmem>>) offsets(%dma_start3A_244 : memref<125xi32, #tpu.memory_space<vmem>>) semaphore(%arg13 : memref<!tpu.dma_semaphore, #tpu.memory_space<semaphore_mem>>)
      } else {
      }
    }
    %scan3A_55 = arith.constant 20 : i32
    %barrier3A_56 = arith.constant 0 : index
    tpu.barrier barrier_id(%barrier3A_56)
    %eq3A_57 = arith.constant 0 : i32
    %eq3A_58 = arith.cmpi eq, %arg1, %eq3A_57 : i32
    %convert_element_type3A_59 = arith.extui %eq3A_58 : i1 to i32
    %cond3A_60 = arith.constant 0 : i32
    %cond3A_61 = arith.cmpi ne, %convert_element_type3A_59, %cond3A_60 : i32
    scf.if %cond3A_61 {
      "tpu.region"() ({
        %run_scoped3A_62 = tpu.sem_alloc : memref<!tpu.dma_semaphore, #tpu.memory_space<semaphore_mem>>
        %dma_start3A_63 = arith.constant 0 : i32
        %dma_start3A_64 = arith.constant 0 : i32
        %dma_start3A_65 = tpu.memref_slice %arg5[%arg0, %dma_start3A_63, %dma_start3A_64] : memref<2x10112x64xf32, #tpu.memory_space<hbm>> -> memref<1x10112x64xf32, #tpu.memory_space<hbm>>
        %dma_start3A_66 = tpu.memref_squeeze %dma_start3A_65 : memref<1x10112x64xf32, #tpu.memory_space<hbm>> -> memref<10112x64xf32, #tpu.memory_space<hbm>>
        tpu.enqueue_dma source(%arg9 : memref<10112x64xf32, #tpu.memory_space<vmem_shared>>) target(%dma_start3A_66 : memref<10112x64xf32, #tpu.memory_space<hbm>>) target_semaphore(%run_scoped3A_62 : memref<!tpu.dma_semaphore, #tpu.memory_space<semaphore_mem>>)
        %dma_wait3A = arith.constant 0 : i32
        %dma_wait3A_67 = arith.constant 0 : i32
        %dma_wait3A_68 = tpu.memref_slice %arg5[%arg0, %dma_wait3A, %dma_wait3A_67] : memref<2x10112x64xf32, #tpu.memory_space<hbm>> -> memref<1x10112x64xf32, #tpu.memory_space<hbm>>
        %dma_wait3A_69 = tpu.memref_squeeze %dma_wait3A_68 : memref<1x10112x64xf32, #tpu.memory_space<hbm>> -> memref<10112x64xf32, #tpu.memory_space<hbm>>
        tpu.wait_dma2 semaphore(%run_scoped3A_62 : memref<!tpu.dma_semaphore, #tpu.memory_space<semaphore_mem>>) src(%arg9 : memref<10112x64xf32, #tpu.memory_space<vmem_shared>>) dst(%dma_wait3A_69 : memref<10112x64xf32, #tpu.memory_space<hbm>>)
        tpu.yield
      }) : () -> ()
    } else {
    }
    return
  }
}

module attributes {stable_mosaic.version = 14 : i64} {
  func.func @_tc_matmul1_body(%arg0: memref<5056x256xf32, #tpu.memory_space<vmem>>, %arg1: memref<256x128xf32, #tpu.memory_space<vmem>>, %arg2: memref<1x128xf32, #tpu.memory_space<vmem>>, %arg3: memref<5056x128xf32, #tpu.memory_space<vmem>>) attributes {dimension_semantics = [], scalar_prefetch = 0 : i64, scratch_operands = 0 : i64, tpu.core_type = #tpu.core_type<tc>} {
    %get3A = arith.constant 0 : index
    %get3A_0 = arith.constant 0 : index
    %get3A_1 = vector.load %arg0[%get3A, %get3A_0] : memref<5056x256xf32, #tpu.memory_space<vmem>>, vector<5056x256xf32>
    %get3A_2 = arith.constant 0 : index
    %get3A_3 = arith.constant 0 : index
    %get3A_4 = vector.load %arg1[%get3A_2, %get3A_3] : memref<256x128xf32, #tpu.memory_space<vmem>>, vector<256x128xf32>
    %dot_general3A = arith.constant dense<0.000000e+00> : vector<5056x128xf32>
    %dot_general3A_5 = tpu.matmul %get3A_1, %get3A_4, %dot_general3A {dimension_numbers = #tpu.dot_dimension_numbers<[1], [0], [0], [1], [0, 0, 1, 1], [], []>, transpose_lhs_hint = false} : vector<5056x256xf32>, vector<256x128xf32>, vector<5056x128xf32> -> vector<5056x128xf32>
    %get3A_6 = arith.constant 0 : index
    %get3A_7 = arith.constant 0 : index
    %get3A_8 = vector.load %arg2[%get3A_6, %get3A_7] : memref<1x128xf32, #tpu.memory_space<vmem>>, vector<1x128xf32>
    %add3A = vector.broadcast %get3A_8 : vector<1x128xf32> to vector<5056x128xf32>
    %add3A_9 = arith.addf %dot_general3A_5, %add3A : vector<5056x128xf32>
    %swap3A = arith.constant 0 : index
    %swap3A_10 = arith.constant 0 : index
    %swap3A_11 = vector.load %arg3[%swap3A, %swap3A_10] : memref<5056x128xf32, #tpu.memory_space<vmem>>, vector<5056x128xf32>
    tpu.vector_store %arg3[%swap3A, %swap3A_10], %add3A_9 {strides = array<i32>} : memref<5056x128xf32, #tpu.memory_space<vmem>>, vector<5056x128xf32>,
    return
  }
}

module attributes {stable_mosaic.version = 14 : i64} {
  func.func @_tc_scale_body(%arg0: memref<5056x128xf32, #tpu.memory_space<vmem>>, %arg1: memref<2x5056x16xf32, #tpu.memory_space<vmem>>, %arg2: memref<5056x128xf32, #tpu.memory_space<vmem>>) attributes {dimension_semantics = [], scalar_prefetch = 0 : i64, scratch_operands = 0 : i64, tpu.core_type = #tpu.core_type<tc>} {
    %get3A = arith.constant 0 : index
    %get3A_0 = arith.constant 0 : index
    %get3A_1 = vector.load %arg0[%get3A, %get3A_0] : memref<5056x128xf32, #tpu.memory_space<vmem>>, vector<5056x128xf32>
    %get3A_2 = arith.constant 0 : index
    %get3A_3 = arith.constant 0 : index
    %get3A_4 = arith.constant 0 : index
    %get3A_5 = vector.load %arg1[%get3A_2, %get3A_3, %get3A_4] : memref<2x5056x16xf32, #tpu.memory_space<vmem>>, vector<1x5056x16xf32>
    %get3A_6 = vector.shape_cast %get3A_5 : vector<1x5056x16xf32> to vector<5056x16xf32>
    %get3A_7 = arith.constant 1 : index
    %get3A_8 = arith.constant 0 : index
    %get3A_9 = arith.constant 0 : index
    %get3A_10 = vector.load %arg1[%get3A_7, %get3A_8, %get3A_9] : memref<2x5056x16xf32, #tpu.memory_space<vmem>>, vector<1x5056x16xf32>
    %get3A_11 = vector.shape_cast %get3A_10 : vector<1x5056x16xf32> to vector<5056x16xf32>
    %add3A = arith.addf %get3A_6, %get3A_11 : vector<5056x16xf32>
    %iota3A = tpu.iota {dimensions = array<i32: 0>} : vector<16x2xi32>
    %iota3A_12 = tpu.iota {dimensions = array<i32: 1>} : vector<16x2xi32>
    %mul3A = arith.constant 8 : i32
    %mul3A_13 = vector.broadcast %mul3A : i32 to vector<16x2xi32>
    %mul3A_14 = arith.muli %iota3A_12, %mul3A_13 : vector<16x2xi32>
    %eq3A = arith.cmpi eq, %iota3A, %mul3A_14 : vector<16x2xi32>
    %convert_element_type3A = arith.extui %eq3A : vector<16x2xi1> to vector<16x2xi32>
    %convert_element_type3A_15 = arith.sitofp %convert_element_type3A : vector<16x2xi32> to vector<16x2xf32>
    %dot_general3A = arith.constant dense<0.000000e+00> : vector<5056x2xf32>
    %dot_general3A_16 = tpu.matmul %add3A, %convert_element_type3A_15, %dot_general3A {dimension_numbers = #tpu.dot_dimension_numbers<[1], [0], [0], [1], [0, 0, 1, 1], [], []>, transpose_lhs_hint = false} : vector<5056x16xf32>, vector<16x2xf32>, vector<5056x2xf32> -> vector<5056x2xf32>
    %add3A_17 = arith.constant 1.000000e+00 : f32
    %add3A_18 = vector.broadcast %add3A_17 : f32 to vector<5056x2xf32>
    %add3A_19 = arith.addf %dot_general3A_16, %add3A_18 : vector<5056x2xf32>
    %iota3A_20 = tpu.iota {dimensions = array<i32: 0>} : vector<5056x2xi32>
    %iota3A_21 = tpu.iota {dimensions = array<i32: 1>} : vector<5056x2xi32>
    %mul3A_22 = arith.constant 2 : i32
    %mul3A_23 = vector.broadcast %mul3A_22 : i32 to vector<5056x2xi32>
    %mul3A_24 = arith.muli %mul3A_23, %iota3A_20 : vector<5056x2xi32>
    %add3A_25 = arith.addi %mul3A_24, %iota3A_21 : vector<5056x2xi32>
    %lt3A = arith.constant 10000 : i32
    %lt3A_26 = vector.broadcast %lt3A : i32 to vector<5056x2xi32>
    %lt3A_27 = arith.cmpi slt, %add3A_25, %lt3A_26 : vector<5056x2xi32>
    %rsqrt3A = math.rsqrt %add3A_19 : vector<5056x2xf32>
    %jit3A = arith.constant 0.000000e+00 : f32
    %broadcast_in_dim3A = vector.broadcast %jit3A : f32 to vector<5056x2xf32>
    %select_n3A = arith.select %lt3A_27, %rsqrt3A, %broadcast_in_dim3A : vector<5056x2xi1>, vector<5056x2xf32>
    %iota3A_28 = tpu.iota {dimensions = array<i32: 0>} : vector<2x128xi32>
    %iota3A_29 = tpu.iota {dimensions = array<i32: 1>} : vector<2x128xi32>
    %jit3A_30 = arith.constant 64 : i32
    %div3A = vector.broadcast %jit3A_30 : i32 to vector<2x128xi32>
    %div3A_31 = arith.divsi %iota3A_29, %div3A : vector<2x128xi32>
    %sign3A = arith.constant 0 : i32
    %sign3A_32 = vector.broadcast %sign3A : i32 to vector<2x128xi32>
    %sign3A_33 = arith.cmpi sgt, %iota3A_29, %sign3A_32 : vector<2x128xi32>
    %sign3A_34 = arith.extui %sign3A_33 : vector<2x128xi1> to vector<2x128xi32>
    %sign3A_35 = arith.constant 0 : i32
    %sign3A_36 = vector.broadcast %sign3A_35 : i32 to vector<2x128xi32>
    %sign3A_37 = arith.cmpi slt, %iota3A_29, %sign3A_36 : vector<2x128xi32>
    %sign3A_38 = arith.extui %sign3A_37 : vector<2x128xi1> to vector<2x128xi32>
    %sign3A_39 = arith.subi %sign3A_34, %sign3A_38 : vector<2x128xi32>
    %sign3A_40 = arith.constant 0 : i32
    %sign3A_41 = arith.cmpi sgt, %jit3A_30, %sign3A_40 : i32
    %sign3A_42 = arith.extui %sign3A_41 : i1 to i32
    %sign3A_43 = arith.constant 0 : i32
    %sign3A_44 = arith.cmpi slt, %jit3A_30, %sign3A_43 : i32
    %sign3A_45 = arith.extui %sign3A_44 : i1 to i32
    %sign3A_46 = arith.subi %sign3A_42, %sign3A_45 : i32
    %ne3A = vector.broadcast %sign3A_46 : i32 to vector<2x128xi32>
    %ne3A_47 = arith.cmpi ne, %sign3A_39, %ne3A : vector<2x128xi32>
    %rem3A = vector.broadcast %jit3A_30 : i32 to vector<2x128xi32>
    %rem3A_48 = arith.remsi %iota3A_29, %rem3A : vector<2x128xi32>
    %ne3A_49 = arith.constant 0 : i32
    %ne3A_50 = vector.broadcast %ne3A_49 : i32 to vector<2x128xi32>
    %ne3A_51 = arith.cmpi ne, %rem3A_48, %ne3A_50 : vector<2x128xi32>
    %and3A = arith.andi %ne3A_47, %ne3A_51 : vector<2x128xi1>
    %sub3A = arith.constant 1 : i32
    %sub3A_52 = vector.broadcast %sub3A : i32 to vector<2x128xi32>
    %sub3A_53 = arith.subi %div3A_31, %sub3A_52 : vector<2x128xi32>
    %select_n3A_54 = arith.select %and3A, %sub3A_53, %div3A_31 : vector<2x128xi1>, vector<2x128xi32>
    %eq3A_55 = arith.cmpi eq, %iota3A_28, %select_n3A_54 : vector<2x128xi32>
    %convert_element_type3A_56 = arith.extui %eq3A_55 : vector<2x128xi1> to vector<2x128xi32>
    %convert_element_type3A_57 = arith.sitofp %convert_element_type3A_56 : vector<2x128xi32> to vector<2x128xf32>
    %dot_general3A_58 = arith.constant dense<0.000000e+00> : vector<5056x128xf32>
    %dot_general3A_59 = tpu.matmul %select_n3A, %convert_element_type3A_57, %dot_general3A_58 {dimension_numbers = #tpu.dot_dimension_numbers<[1], [0], [0], [1], [0, 0, 1, 1], [], []>, transpose_lhs_hint = false} : vector<5056x2xf32>, vector<2x128xf32>, vector<5056x128xf32> -> vector<5056x128xf32>
    %mul3A_60 = arith.mulf %get3A_1, %dot_general3A_59 : vector<5056x128xf32>
    %swap3A = arith.constant 0 : index
    %swap3A_61 = arith.constant 0 : index
    %swap3A_62 = vector.load %arg2[%swap3A, %swap3A_61] : memref<5056x128xf32, #tpu.memory_space<vmem>>, vector<5056x128xf32>
    tpu.vector_store %arg2[%swap3A, %swap3A_61], %mul3A_60 {strides = array<i32>} : memref<5056x128xf32, #tpu.memory_space<vmem>>, vector<5056x128xf32>,
    return
  }
}

module attributes {stable_mosaic.version = 14 : i64} {
  func.func @_tc_layer2_body(%arg0: memref<2x5056x128xf32, #tpu.memory_space<vmem>>, %arg1: memref<5056x128xf32, #tpu.memory_space<vmem>>, %arg2: memref<2x5056x16xf32, #tpu.memory_space<vmem>>, %arg3: memref<128x128xf32, #tpu.memory_space<vmem>>, %arg4: memref<1x128xf32, #tpu.memory_space<vmem>>, %arg5: memref<5056x128xf32, #tpu.memory_space<vmem>>) attributes {dimension_semantics = [], scalar_prefetch = 0 : i64, scratch_operands = 0 : i64, tpu.core_type = #tpu.core_type<tc>} {
    %get3A = arith.constant 0 : index
    %get3A_0 = arith.constant 0 : index
    %get3A_1 = arith.constant 0 : index
    %get3A_2 = vector.load %arg2[%get3A, %get3A_0, %get3A_1] : memref<2x5056x16xf32, #tpu.memory_space<vmem>>, vector<1x5056x16xf32>
    %get3A_3 = vector.shape_cast %get3A_2 : vector<1x5056x16xf32> to vector<5056x16xf32>
    %get3A_4 = arith.constant 1 : index
    %get3A_5 = arith.constant 0 : index
    %get3A_6 = arith.constant 0 : index
    %get3A_7 = vector.load %arg2[%get3A_4, %get3A_5, %get3A_6] : memref<2x5056x16xf32, #tpu.memory_space<vmem>>, vector<1x5056x16xf32>
    %get3A_8 = vector.shape_cast %get3A_7 : vector<1x5056x16xf32> to vector<5056x16xf32>
    %add3A = arith.addf %get3A_3, %get3A_8 : vector<5056x16xf32>
    %iota3A = tpu.iota {dimensions = array<i32: 0>} : vector<16x2xi32>
    %iota3A_9 = tpu.iota {dimensions = array<i32: 1>} : vector<16x2xi32>
    %mul3A = arith.constant 8 : i32
    %mul3A_10 = vector.broadcast %mul3A : i32 to vector<16x2xi32>
    %mul3A_11 = arith.muli %iota3A_9, %mul3A_10 : vector<16x2xi32>
    %eq3A = arith.cmpi eq, %iota3A, %mul3A_11 : vector<16x2xi32>
    %convert_element_type3A = arith.extui %eq3A : vector<16x2xi1> to vector<16x2xi32>
    %convert_element_type3A_12 = arith.sitofp %convert_element_type3A : vector<16x2xi32> to vector<16x2xf32>
    %dot_general3A = arith.constant dense<0.000000e+00> : vector<5056x2xf32>
    %dot_general3A_13 = tpu.matmul %add3A, %convert_element_type3A_12, %dot_general3A {dimension_numbers = #tpu.dot_dimension_numbers<[1], [0], [0], [1], [0, 0, 1, 1], [], []>, transpose_lhs_hint = false} : vector<5056x16xf32>, vector<16x2xf32>, vector<5056x2xf32> -> vector<5056x2xf32>
    %add3A_14 = arith.constant 1.000000e+00 : f32
    %add3A_15 = vector.broadcast %add3A_14 : f32 to vector<5056x2xf32>
    %add3A_16 = arith.addf %dot_general3A_13, %add3A_15 : vector<5056x2xf32>
    %iota3A_17 = tpu.iota {dimensions = array<i32: 0>} : vector<5056x2xi32>
    %iota3A_18 = tpu.iota {dimensions = array<i32: 1>} : vector<5056x2xi32>
    %mul3A_19 = arith.constant 2 : i32
    %mul3A_20 = vector.broadcast %mul3A_19 : i32 to vector<5056x2xi32>
    %mul3A_21 = arith.muli %mul3A_20, %iota3A_17 : vector<5056x2xi32>
    %add3A_22 = arith.addi %mul3A_21, %iota3A_18 : vector<5056x2xi32>
    %lt3A = arith.constant 10000 : i32
    %lt3A_23 = vector.broadcast %lt3A : i32 to vector<5056x2xi32>
    %lt3A_24 = arith.cmpi slt, %add3A_22, %lt3A_23 : vector<5056x2xi32>
    %rsqrt3A = math.rsqrt %add3A_16 : vector<5056x2xf32>
    %jit3A = arith.constant 0.000000e+00 : f32
    %broadcast_in_dim3A = vector.broadcast %jit3A : f32 to vector<5056x2xf32>
    %select_n3A = arith.select %lt3A_24, %rsqrt3A, %broadcast_in_dim3A : vector<5056x2xi1>, vector<5056x2xf32>
    %iota3A_25 = tpu.iota {dimensions = array<i32: 0>} : vector<2x128xi32>
    %iota3A_26 = tpu.iota {dimensions = array<i32: 1>} : vector<2x128xi32>
    %jit3A_27 = arith.constant 64 : i32
    %div3A = vector.broadcast %jit3A_27 : i32 to vector<2x128xi32>
    %div3A_28 = arith.divsi %iota3A_26, %div3A : vector<2x128xi32>
    %sign3A = arith.constant 0 : i32
    %sign3A_29 = vector.broadcast %sign3A : i32 to vector<2x128xi32>
    %sign3A_30 = arith.cmpi sgt, %iota3A_26, %sign3A_29 : vector<2x128xi32>
    %sign3A_31 = arith.extui %sign3A_30 : vector<2x128xi1> to vector<2x128xi32>
    %sign3A_32 = arith.constant 0 : i32
    %sign3A_33 = vector.broadcast %sign3A_32 : i32 to vector<2x128xi32>
    %sign3A_34 = arith.cmpi slt, %iota3A_26, %sign3A_33 : vector<2x128xi32>
    %sign3A_35 = arith.extui %sign3A_34 : vector<2x128xi1> to vector<2x128xi32>
    %sign3A_36 = arith.subi %sign3A_31, %sign3A_35 : vector<2x128xi32>
    %sign3A_37 = arith.constant 0 : i32
    %sign3A_38 = arith.cmpi sgt, %jit3A_27, %sign3A_37 : i32
    %sign3A_39 = arith.extui %sign3A_38 : i1 to i32
    %sign3A_40 = arith.constant 0 : i32
    %sign3A_41 = arith.cmpi slt, %jit3A_27, %sign3A_40 : i32
    %sign3A_42 = arith.extui %sign3A_41 : i1 to i32
    %sign3A_43 = arith.subi %sign3A_39, %sign3A_42 : i32
    %ne3A = vector.broadcast %sign3A_43 : i32 to vector<2x128xi32>
    %ne3A_44 = arith.cmpi ne, %sign3A_36, %ne3A : vector<2x128xi32>
    %rem3A = vector.broadcast %jit3A_27 : i32 to vector<2x128xi32>
    %rem3A_45 = arith.remsi %iota3A_26, %rem3A : vector<2x128xi32>
    %ne3A_46 = arith.constant 0 : i32
    %ne3A_47 = vector.broadcast %ne3A_46 : i32 to vector<2x128xi32>
    %ne3A_48 = arith.cmpi ne, %rem3A_45, %ne3A_47 : vector<2x128xi32>
    %and3A = arith.andi %ne3A_44, %ne3A_48 : vector<2x128xi1>
    %sub3A = arith.constant 1 : i32
    %sub3A_49 = vector.broadcast %sub3A : i32 to vector<2x128xi32>
    %sub3A_50 = arith.subi %div3A_28, %sub3A_49 : vector<2x128xi32>
    %select_n3A_51 = arith.select %and3A, %sub3A_50, %div3A_28 : vector<2x128xi1>, vector<2x128xi32>
    %eq3A_52 = arith.cmpi eq, %iota3A_25, %select_n3A_51 : vector<2x128xi32>
    %convert_element_type3A_53 = arith.extui %eq3A_52 : vector<2x128xi1> to vector<2x128xi32>
    %convert_element_type3A_54 = arith.sitofp %convert_element_type3A_53 : vector<2x128xi32> to vector<2x128xf32>
    %dot_general3A_55 = arith.constant dense<0.000000e+00> : vector<5056x128xf32>
    %dot_general3A_56 = tpu.matmul %select_n3A, %convert_element_type3A_54, %dot_general3A_55 {dimension_numbers = #tpu.dot_dimension_numbers<[1], [0], [0], [1], [0, 0, 1, 1], [], []>, transpose_lhs_hint = false} : vector<5056x2xf32>, vector<2x128xf32>, vector<5056x128xf32> -> vector<5056x128xf32>
    %get3A_57 = arith.constant 0 : index
    %get3A_58 = arith.constant 0 : index
    %get3A_59 = arith.constant 0 : index
    %get3A_60 = vector.load %arg0[%get3A_57, %get3A_58, %get3A_59] : memref<2x5056x128xf32, #tpu.memory_space<vmem>>, vector<1x5056x128xf32>
    %get3A_61 = vector.shape_cast %get3A_60 : vector<1x5056x128xf32> to vector<5056x128xf32>
    %get3A_62 = arith.constant 1 : index
    %get3A_63 = arith.constant 0 : index
    %get3A_64 = arith.constant 0 : index
    %get3A_65 = vector.load %arg0[%get3A_62, %get3A_63, %get3A_64] : memref<2x5056x128xf32, #tpu.memory_space<vmem>>, vector<1x5056x128xf32>
    %get3A_66 = vector.shape_cast %get3A_65 : vector<1x5056x128xf32> to vector<5056x128xf32>
    %add3A_67 = arith.addf %get3A_61, %get3A_66 : vector<5056x128xf32>
    %get3A_68 = arith.constant 0 : index
    %get3A_69 = arith.constant 0 : index
    %get3A_70 = vector.load %arg1[%get3A_68, %get3A_69] : memref<5056x128xf32, #tpu.memory_space<vmem>>, vector<5056x128xf32>
    %add3A_71 = arith.addf %add3A_67, %get3A_70 : vector<5056x128xf32>
    %mul3A_72 = arith.mulf %add3A_71, %dot_general3A_56 : vector<5056x128xf32>
    %max3A = arith.constant 0.000000e+00 : f32
    %max3A_73 = vector.broadcast %max3A : f32 to vector<5056x128xf32>
    %max3A_74 = arith.maximumf %mul3A_72, %max3A_73 : vector<5056x128xf32>
    %get3A_75 = arith.constant 0 : index
    %get3A_76 = arith.constant 0 : index
    %get3A_77 = vector.load %arg3[%get3A_75, %get3A_76] : memref<128x128xf32, #tpu.memory_space<vmem>>, vector<128x128xf32>
    %dot_general3A_78 = arith.constant dense<0.000000e+00> : vector<5056x128xf32>
    %dot_general3A_79 = tpu.matmul %max3A_74, %get3A_77, %dot_general3A_78 {dimension_numbers = #tpu.dot_dimension_numbers<[1], [0], [0], [1], [0, 0, 1, 1], [], []>, transpose_lhs_hint = false} : vector<5056x128xf32>, vector<128x128xf32>, vector<5056x128xf32> -> vector<5056x128xf32>
    %get3A_80 = arith.constant 0 : index
    %get3A_81 = arith.constant 0 : index
    %get3A_82 = vector.load %arg4[%get3A_80, %get3A_81] : memref<1x128xf32, #tpu.memory_space<vmem>>, vector<1x128xf32>
    %add3A_83 = vector.broadcast %get3A_82 : vector<1x128xf32> to vector<5056x128xf32>
    %add3A_84 = arith.addf %dot_general3A_79, %add3A_83 : vector<5056x128xf32>
    %mul3A_85 = arith.mulf %add3A_84, %dot_general3A_56 : vector<5056x128xf32>
    %swap3A = arith.constant 0 : index
    %swap3A_86 = arith.constant 0 : index
    %swap3A_87 = vector.load %arg5[%swap3A, %swap3A_86] : memref<5056x128xf32, #tpu.memory_space<vmem>>, vector<5056x128xf32>
    tpu.vector_store %arg5[%swap3A, %swap3A_86], %mul3A_85 {strides = array<i32>} : memref<5056x128xf32, #tpu.memory_space<vmem>>, vector<5056x128xf32>,
    return
  }
}

module attributes {stable_mosaic.version = 14 : i64} {
  func.func @_tc_head_body(%arg0: memref<2x5056x128xf32, #tpu.memory_space<vmem>>, %arg1: memref<5056x128xf32, #tpu.memory_space<vmem>>, %arg2: memref<2x5056x16xf32, #tpu.memory_space<vmem>>, %arg3: memref<128x128xf32, #tpu.memory_space<vmem>>, %arg4: memref<1x128xf32, #tpu.memory_space<vmem>>, %arg5: memref<1x128xf32, #tpu.memory_space<vmem>>) attributes {dimension_semantics = [], scalar_prefetch = 0 : i64, scratch_operands = 0 : i64, tpu.core_type = #tpu.core_type<tc>} {
    %get3A = arith.constant 0 : index
    %get3A_0 = arith.constant 0 : index
    %get3A_1 = arith.constant 0 : index
    %get3A_2 = vector.load %arg2[%get3A, %get3A_0, %get3A_1] : memref<2x5056x16xf32, #tpu.memory_space<vmem>>, vector<1x5056x16xf32>
    %get3A_3 = vector.shape_cast %get3A_2 : vector<1x5056x16xf32> to vector<5056x16xf32>
    %get3A_4 = arith.constant 1 : index
    %get3A_5 = arith.constant 0 : index
    %get3A_6 = arith.constant 0 : index
    %get3A_7 = vector.load %arg2[%get3A_4, %get3A_5, %get3A_6] : memref<2x5056x16xf32, #tpu.memory_space<vmem>>, vector<1x5056x16xf32>
    %get3A_8 = vector.shape_cast %get3A_7 : vector<1x5056x16xf32> to vector<5056x16xf32>
    %add3A = arith.addf %get3A_3, %get3A_8 : vector<5056x16xf32>
    %iota3A = tpu.iota {dimensions = array<i32: 0>} : vector<16x2xi32>
    %iota3A_9 = tpu.iota {dimensions = array<i32: 1>} : vector<16x2xi32>
    %mul3A = arith.constant 8 : i32
    %mul3A_10 = vector.broadcast %mul3A : i32 to vector<16x2xi32>
    %mul3A_11 = arith.muli %iota3A_9, %mul3A_10 : vector<16x2xi32>
    %eq3A = arith.cmpi eq, %iota3A, %mul3A_11 : vector<16x2xi32>
    %convert_element_type3A = arith.extui %eq3A : vector<16x2xi1> to vector<16x2xi32>
    %convert_element_type3A_12 = arith.sitofp %convert_element_type3A : vector<16x2xi32> to vector<16x2xf32>
    %dot_general3A = arith.constant dense<0.000000e+00> : vector<5056x2xf32>
    %dot_general3A_13 = tpu.matmul %add3A, %convert_element_type3A_12, %dot_general3A {dimension_numbers = #tpu.dot_dimension_numbers<[1], [0], [0], [1], [0, 0, 1, 1], [], []>, transpose_lhs_hint = false} : vector<5056x16xf32>, vector<16x2xf32>, vector<5056x2xf32> -> vector<5056x2xf32>
    %add3A_14 = arith.constant 1.000000e+00 : f32
    %add3A_15 = vector.broadcast %add3A_14 : f32 to vector<5056x2xf32>
    %add3A_16 = arith.addf %dot_general3A_13, %add3A_15 : vector<5056x2xf32>
    %iota3A_17 = tpu.iota {dimensions = array<i32: 0>} : vector<5056x2xi32>
    %iota3A_18 = tpu.iota {dimensions = array<i32: 1>} : vector<5056x2xi32>
    %mul3A_19 = arith.constant 2 : i32
    %mul3A_20 = vector.broadcast %mul3A_19 : i32 to vector<5056x2xi32>
    %mul3A_21 = arith.muli %mul3A_20, %iota3A_17 : vector<5056x2xi32>
    %add3A_22 = arith.addi %mul3A_21, %iota3A_18 : vector<5056x2xi32>
    %lt3A = arith.constant 10000 : i32
    %lt3A_23 = vector.broadcast %lt3A : i32 to vector<5056x2xi32>
    %lt3A_24 = arith.cmpi slt, %add3A_22, %lt3A_23 : vector<5056x2xi32>
    %rsqrt3A = math.rsqrt %add3A_16 : vector<5056x2xf32>
    %jit3A = arith.constant 0.000000e+00 : f32
    %broadcast_in_dim3A = vector.broadcast %jit3A : f32 to vector<5056x2xf32>
    %select_n3A = arith.select %lt3A_24, %rsqrt3A, %broadcast_in_dim3A : vector<5056x2xi1>, vector<5056x2xf32>
    %iota3A_25 = tpu.iota {dimensions = array<i32: 0>} : vector<2x128xi32>
    %iota3A_26 = tpu.iota {dimensions = array<i32: 1>} : vector<2x128xi32>
    %jit3A_27 = arith.constant 64 : i32
    %div3A = vector.broadcast %jit3A_27 : i32 to vector<2x128xi32>
    %div3A_28 = arith.divsi %iota3A_26, %div3A : vector<2x128xi32>
    %sign3A = arith.constant 0 : i32
    %sign3A_29 = vector.broadcast %sign3A : i32 to vector<2x128xi32>
    %sign3A_30 = arith.cmpi sgt, %iota3A_26, %sign3A_29 : vector<2x128xi32>
    %sign3A_31 = arith.extui %sign3A_30 : vector<2x128xi1> to vector<2x128xi32>
    %sign3A_32 = arith.constant 0 : i32
    %sign3A_33 = vector.broadcast %sign3A_32 : i32 to vector<2x128xi32>
    %sign3A_34 = arith.cmpi slt, %iota3A_26, %sign3A_33 : vector<2x128xi32>
    %sign3A_35 = arith.extui %sign3A_34 : vector<2x128xi1> to vector<2x128xi32>
    %sign3A_36 = arith.subi %sign3A_31, %sign3A_35 : vector<2x128xi32>
    %sign3A_37 = arith.constant 0 : i32
    %sign3A_38 = arith.cmpi sgt, %jit3A_27, %sign3A_37 : i32
    %sign3A_39 = arith.extui %sign3A_38 : i1 to i32
    %sign3A_40 = arith.constant 0 : i32
    %sign3A_41 = arith.cmpi slt, %jit3A_27, %sign3A_40 : i32
    %sign3A_42 = arith.extui %sign3A_41 : i1 to i32
    %sign3A_43 = arith.subi %sign3A_39, %sign3A_42 : i32
    %ne3A = vector.broadcast %sign3A_43 : i32 to vector<2x128xi32>
    %ne3A_44 = arith.cmpi ne, %sign3A_36, %ne3A : vector<2x128xi32>
    %rem3A = vector.broadcast %jit3A_27 : i32 to vector<2x128xi32>
    %rem3A_45 = arith.remsi %iota3A_26, %rem3A : vector<2x128xi32>
    %ne3A_46 = arith.constant 0 : i32
    %ne3A_47 = vector.broadcast %ne3A_46 : i32 to vector<2x128xi32>
    %ne3A_48 = arith.cmpi ne, %rem3A_45, %ne3A_47 : vector<2x128xi32>
    %and3A = arith.andi %ne3A_44, %ne3A_48 : vector<2x128xi1>
    %sub3A = arith.constant 1 : i32
    %sub3A_49 = vector.broadcast %sub3A : i32 to vector<2x128xi32>
    %sub3A_50 = arith.subi %div3A_28, %sub3A_49 : vector<2x128xi32>
    %select_n3A_51 = arith.select %and3A, %sub3A_50, %div3A_28 : vector<2x128xi1>, vector<2x128xi32>
    %eq3A_52 = arith.cmpi eq, %iota3A_25, %select_n3A_51 : vector<2x128xi32>
    %convert_element_type3A_53 = arith.extui %eq3A_52 : vector<2x128xi1> to vector<2x128xi32>
    %convert_element_type3A_54 = arith.sitofp %convert_element_type3A_53 : vector<2x128xi32> to vector<2x128xf32>
    %dot_general3A_55 = arith.constant dense<0.000000e+00> : vector<5056x128xf32>
    %dot_general3A_56 = tpu.matmul %select_n3A, %convert_element_type3A_54, %dot_general3A_55 {dimension_numbers = #tpu.dot_dimension_numbers<[1], [0], [0], [1], [0, 0, 1, 1], [], []>, transpose_lhs_hint = false} : vector<5056x2xf32>, vector<2x128xf32>, vector<5056x128xf32> -> vector<5056x128xf32>
    %get3A_57 = arith.constant 0 : index
    %get3A_58 = arith.constant 0 : index
    %get3A_59 = arith.constant 0 : index
    %get3A_60 = vector.load %arg0[%get3A_57, %get3A_58, %get3A_59] : memref<2x5056x128xf32, #tpu.memory_space<vmem>>, vector<1x5056x128xf32>
    %get3A_61 = vector.shape_cast %get3A_60 : vector<1x5056x128xf32> to vector<5056x128xf32>
    %get3A_62 = arith.constant 1 : index
    %get3A_63 = arith.constant 0 : index
    %get3A_64 = arith.constant 0 : index
    %get3A_65 = vector.load %arg0[%get3A_62, %get3A_63, %get3A_64] : memref<2x5056x128xf32, #tpu.memory_space<vmem>>, vector<1x5056x128xf32>
    %get3A_66 = vector.shape_cast %get3A_65 : vector<1x5056x128xf32> to vector<5056x128xf32>
    %add3A_67 = arith.addf %get3A_61, %get3A_66 : vector<5056x128xf32>
    %get3A_68 = arith.constant 0 : index
    %get3A_69 = arith.constant 0 : index
    %get3A_70 = vector.load %arg1[%get3A_68, %get3A_69] : memref<5056x128xf32, #tpu.memory_space<vmem>>, vector<5056x128xf32>
    %add3A_71 = arith.addf %add3A_67, %get3A_70 : vector<5056x128xf32>
    %mul3A_72 = arith.mulf %add3A_71, %dot_general3A_56 : vector<5056x128xf32>
    %max3A = arith.constant 0.000000e+00 : f32
    %max3A_73 = vector.broadcast %max3A : f32 to vector<5056x128xf32>
    %max3A_74 = arith.maximumf %mul3A_72, %max3A_73 : vector<5056x128xf32>
    %reduce_sum3A = arith.constant dense<0.000000e+00> : vector<128xf32>
    %reduce_sum3A_75 = vector.multi_reduction <add>, %max3A_74, %reduce_sum3A [0] : vector<5056x128xf32> to vector<128xf32>
    %broadcast_in_dim3A_76 = vector.shape_cast %reduce_sum3A_75 : vector<128xf32> to vector<1x128xf32>
    %get3A_77 = arith.constant 0 : index
    %get3A_78 = arith.constant 0 : index
    %get3A_79 = vector.load %arg3[%get3A_77, %get3A_78] : memref<128x128xf32, #tpu.memory_space<vmem>>, vector<128x128xf32>
    %dot_general3A_80 = arith.constant dense<0.000000e+00> : vector<1x128xf32>
    %dot_general3A_81 = tpu.matmul %broadcast_in_dim3A_76, %get3A_79, %dot_general3A_80 {dimension_numbers = #tpu.dot_dimension_numbers<[1], [0], [0], [1], [0, 0, 1, 1], [], []>, transpose_lhs_hint = false} : vector<1x128xf32>, vector<128x128xf32>, vector<1x128xf32> -> vector<1x128xf32>
    %get3A_82 = arith.constant 0 : index
    %get3A_83 = arith.constant 0 : index
    %get3A_84 = vector.load %arg4[%get3A_82, %get3A_83] : memref<1x128xf32, #tpu.memory_space<vmem>>, vector<1x128xf32>
    %add3A_85 = arith.addf %dot_general3A_81, %get3A_84 : vector<1x128xf32>
    %reduce_max3A = arith.constant dense<0xFF800000> : vector<1xf32>
    %reduce_max3A_86 = vector.multi_reduction <maximumf>, %add3A_85, %reduce_max3A [1] : vector<1x128xf32> to vector<1xf32>
    %broadcast_in_dim3A_87 = vector.shape_cast %reduce_max3A_86 : vector<1xf32> to vector<1x1xf32>
    %sub3A_88 = vector.broadcast %broadcast_in_dim3A_87 : vector<1x1xf32> to vector<1x128xf32>
    %sub3A_89 = arith.subf %add3A_85, %sub3A_88 : vector<1x128xf32>
    %exp3A = math.exp %sub3A_89 : vector<1x128xf32>
    %reduce_sum3A_90 = arith.constant dense<0.000000e+00> : vector<1xf32>
    %reduce_sum3A_91 = vector.multi_reduction <add>, %exp3A, %reduce_sum3A_90 [1] : vector<1x128xf32> to vector<1xf32>
    %broadcast_in_dim3A_92 = vector.shape_cast %reduce_sum3A_91 : vector<1xf32> to vector<1x1xf32>
    %div3A_93 = vector.broadcast %broadcast_in_dim3A_92 : vector<1x1xf32> to vector<1x128xf32>
    %div3A_94 = arith.divf %exp3A, %div3A_93 : vector<1x128xf32>
    %swap3A = arith.constant 0 : index
    %swap3A_95 = arith.constant 0 : index
    %swap3A_96 = vector.load %arg5[%swap3A, %swap3A_95] : memref<1x128xf32, #tpu.memory_space<vmem>>, vector<1x128xf32>
    tpu.vector_store %arg5[%swap3A, %swap3A_95], %div3A_94 {strides = array<i32>} : memref<1x128xf32, #tpu.memory_space<vmem>>, vector<1x128xf32>,
    return
  }
}

</mosaic_0001>

<sc_bundles>
// kernel: kernel.12.cloned.1.call-start
scs
__scs_entry_jumppad:
0x0: {  	(pc) =	sbr.rel $0x88, $3  }
0x1: {  	(tag) =	ssettag $0x0;
	lr =	simm.s32 $0x1  }
0x2: {  	[smem:$0x3F99] =	sst lr;
	_ =	strace $0xD0000000  }
0x3: {  	_ = 	snop  }
0x4: {  	_ = 	snop  }
0x5: {  	_ = 	snop  }
0x6: {  	_ = 	snop  }
0x7: {  	_ = 	snop  }
__scs_overlays_trampoline_lowered:
0x8: {  	[smem:$0x3FA8] =	sst s0  }
0x9: {  	[smem:$0x3FA9] =	sst s1  }
0xa: {  	[smem:$0x3FAA] =	sst s2  }
0xb: {  	[smem:$0x3FAB] =	sst s3  }
0xc: {  	[smem:$0x3FAC] =	sst s4  }
0xd: {  	[smem:$0x3FAD] =	sst s5  }
0xe: {  	[smem:$0x3FAE] =	sst s6  }
0xf: {  	[smem:$0x3FAF] =	sst s7  }
0x10: {  	[smem:$0x3FB0] =	sst s8  }
0x11: {  	[smem:$0x3FB1] =	sst s9;
	s0 =	simm.s32 @!p0 $0x0  }
0x12: {  	s1 =	sld [smem:$0x3F97];
	s0 =	simm.s32 @p0 $0x1  }
0x13: {  	[smem:$0x3FB2] =	sst s0;
	s0 =	simm.s32 @!p1 $0x0  }
0x14: {  	s2 =	sld [smem:$0x3F96];
	s0 =	simm.s32 @p1 $0x1  }
0x15: {  	[smem:$0x3FB3] =	sst s0;
	s0 =	simm.s32 @!p2 $0x0  }
0x16: {  	s3 =	sld [smem:$0x3FDB];
	s0 =	simm.s32 @p2 $0x1  }
0x17: {  	s4 =	simm.s32 $0x1BF5;
	[smem:$0x3FB5] =	sst s0  }
0x18: {  	s0 =	sld [smem:$0x3F98];
	_ =	swait.ge [sflag:s4], $0x0  }
0x19: {  	s7 =	sld [smem:$0x3F99]  }
0x1a: {  	s8 =	sadd.s32 $0xFFFFE003, lr  }
0x1b: {  	s9 =	sadd.s32 $0xFFFFFEF7, lr;
	s5 =	simm.s32 $0xFFFFFFFF;
	p2 =	slt.u32 s8, $0xFFFFF086  }
0x1c: {  	p1 =	slt.u32 s9, $0xF7A;
	s5 =	simm.s32 @!p2 $0x0  }
0x1d: {  	s5 =	simm.s32 @p1 $0x1;
	p0 =	seq.s32 s7, s2  }
0x1e: {  	s7 =	smul.u32 @!p0 $0xF7A, s2;
	p2 =	seq.s32 @!p0 s5, $0x0  }
0x1f: {  	s9 =	smul.u32 $0xF7A, s1;
	s8 =	simm.s32 @!p0 $0x1BF5;
	p2 =	por !p2, p0  }
0x20: {  	[sflag:s8] =	ssyncset.s32 @!p0 $0xFFFFF086;
	s6 =	sadd.s32 @!p0 s3, s7;
	s7 =	simm.s32 @!p0 $0x108  }
0x21: {  	s3 =	sadd.s32 s3, s9;
	s6 =	sadd.s32 @!p0 $0x88, s6;
	s7 =	simm.s32 @p2 $0x1082  }
0x22: {  	[simem:s7], [sflag:s8] =	dma.local @!p0 [hbm:s6], $0xF7A  }
0x23: {  	s9 =	sor.u32 $0xD0000000, s2;
	s6 =	simm.s32 $0x108;
	_ =	swait.ge @!p0 [sflag:s8], $0x0  }
0x24: {  	s3 =	sadd.s32 $0x88, s3;
	s6 =	simm.s32 @!p1 $0x1082;
	[sflag:s4] =	ssyncset.s32 $0xFFFFF086  }
0x25: {  	[simem:s6], [sflag:s4] =	dma.local [hbm:s3], $0xF7A  }
0x26: {  	[smem:$0x3F99] =	sst s1;
	(tag) =	ssettag s2;
	_ =	strace s9  }
0x27: {  	s1 =	sld [smem:$0x3FA9]  }
0x28: {  	s2 =	sld [smem:$0x3FAA]  }
0x29: {  	s4 =	sld [smem:$0x3FAC]  }
0x2a: {  	p0 =	seq.s32 s5, $0x0;
	s5 =	sld [smem:$0x3FAD]  }
0x2b: {  	s6 =	sld [smem:$0x3FAE]  }
0x2c: {  	s7 =	sld [smem:$0x3FAF]  }
0x2d: {  	s3 =	simm.s32 $0x108;
	s8 =	sld [smem:$0x3FB0]  }
0x2e: {  	s3 =	simm.s32 @!p0 $0x1082;
	s9 =	sld [smem:$0x3FB1]  }
0x2f: {  	lr =	sadd.s32 s0, s3;
	s0 =	sld [smem:$0x3FA8]  }
0x30: {  	s3 =	sld [smem:$0x3FAB]  }
0x31: {  	[smem:$0x3FB4] =	sst s10  }
0x32: {  	s10 =	sld [smem:$0x3FB2];
	_ =	sdelay $0x3  }
0x33: {  	p0 =	seq.s32 s10, $0x1;
	s10 =	sld [smem:$0x3FB4];
	_ =	sdelay $0x3  }
0x34: {  	[smem:$0x3FB4] =	sst s10  }
0x35: {  	s10 =	sld [smem:$0x3FB3];
	_ =	sdelay $0x3  }
0x36: {  	p1 =	seq.s32 s10, $0x1;
	s10 =	sld [smem:$0x3FB4];
	_ =	sdelay $0x3  }
0x37: {  	[smem:$0x3FB4] =	sst s10  }
0x38: {  	s10 =	sld [smem:$0x3FB5]  }
0x39: {  	_ = 	snop;
	(pc) =	sbr.ind lr, $3  }
0x3a: {  	_ = 	snop  }
0x3b: {  	_ = 	snop  }
0x3c: {  	p2 =	seq.s32 s10, $0x1;
	s10 =	sld [smem:$0x3FB4]  }
0x3d: {  	_ =	shalt  }
0x3e: {  	_ =	shalt  }
0x3f: {  	_ =	shalt  }
0x40: {  	_ =	shalt  }
0x41: {  	_ =	shalt  }
0x42: {  	_ =	shalt  }
0x43: {  	_ =	shalt  }
0x44: {  	_ =	shalt  }
0x45: {  	_ =	shalt  }
0x46: {  	_ =	shalt  }
0x47: {  	_ =	shalt  }
0x48: {  	_ =	shalt  }
0x49: {  	_ =	shalt  }
0x4a: {  	_ =	shalt  }
0x4b: {  	_ =	shalt  }
0x4c: {  	_ =	shalt  }
0x4d: {  	_ =	shalt  }
0x4e: {  	_ =	shalt  }
0x4f: {  	_ =	shalt  }
0x50: {  	_ =	shalt  }
0x51: {  	_ =	shalt  }
0x52: {  	_ =	shalt  }
0x53: {  	_ =	shalt  }
0x54: {  	_ =	shalt  }
0x55: {  	_ =	shalt  }
0x56: {  	_ =	shalt  }
0x57: {  	_ =	shalt  }
0x58: {  	_ =	shalt  }
0x59: {  	_ =	shalt  }
0x5a: {  	_ =	shalt  }
0x5b: {  	_ =	shalt  }
0x5c: {  	_ =	shalt  }
0x5d: {  	_ =	shalt  }
0x5e: {  	_ =	shalt  }
0x5f: {  	_ =	shalt  }
0x60: {  	_ =	shalt  }
0x61: {  	_ =	shalt  }
0x62: {  	_ =	shalt  }
0x63: {  	_ =	shalt  }
0x64: {  	_ =	shalt  }
0x65: {  	_ =	shalt  }
0x66: {  	_ =	shalt  }
0x67: {  	_ =	shalt  }
0x68: {  	_ =	shalt  }
0x69: {  	_ =	shalt  }
0x6a: {  	_ =	shalt  }
0x6b: {  	_ =	shalt  }
0x6c: {  	_ =	shalt  }
0x6d: {  	_ =	shalt  }
0x6e: {  	_ =	shalt  }
0x6f: {  	_ =	shalt  }
0x70: {  	_ =	shalt  }
0x71: {  	_ =	shalt  }
0x72: {  	_ =	shalt  }
0x73: {  	_ =	shalt  }
0x74: {  	_ =	shalt  }
0x75: {  	_ =	shalt  }
0x76: {  	_ =	shalt  }
0x77: {  	_ =	shalt  }
0x78: {  	_ =	shalt  }
0x79: {  	_ =	shalt  }
0x7a: {  	_ =	shalt  }
0x7b: {  	_ =	shalt  }
0x7c: {  	_ =	shalt  }
0x7d: {  	_ =	shalt  }
0x7e: {  	_ =	shalt  }
0x7f: {  	_ =	shalt  }
0x80: {  	_ =	shalt  }
0x81: {  	_ =	shalt  }
0x82: {  	_ =	shalt  }
0x83: {  	_ =	shalt  }
0x84: {  	_ =	shalt  }
0x85: {  	_ =	shalt  }
0x86: {  	_ =	shalt  }
0x87: {  	_ =	shalt  }
.Lfunc_end0:
.L_simem_size_0:
called_computation.1_lowered:
.L_overlay_start_0:
0x88: {  	s2 =	sld [smem:$0x3FD9]  }
0x89: {  	s3 =	sld [smem:$0x3FFE];
	_ =	sdelay $0x1  }
0x8a: {  	s1 =	srdreg.scid  }
0x8b: {  	s0 =	sand.u32 $0x1, s1  }
0x8c: {  	s16 =	sshll.u32 s0, $0xA;
	s2 =	sadd.s32 s3, s2  }
0x8d: {  	s2 =	sadd.s32 s2, s16  }
0x8e: {  	[smem:$0x3FC0] =	sst s2  }
0x8f: {  	_ = 	snop  }
0x90: {  	(tm) =	ssettm $0x1  }
0x91: {  	s17 =	sld [smem:$0x3FFB];
	_ =	sdelay $0x3  }
0x92: {  	_ =	strace s17  }
0x93: {  	s2 =	sld [smem:$0x3FFC];
	_ =	sdelay $0x3  }
0x94: {  	_ =	strace s2  }
0x95: {  	s2 =	sld [smem:$0x3FFD];
	_ =	sdelay $0x3  }
0x96: {  	_ =	strace s2  }
0x97: {  	_ =	strace $0x8FFFFFFF  }
0x98: {  	s18 =	sld [smem:$0x3FDB];
	_ =	sdelay $0x1  }
0x99: {  	s19 =	simm.s32 $_scs_section_size  }
0x9a: {  	s4 =	simm.s32 $_size__tile_overlayer_lowered;
	s5 =	simm.s32 $_tile_overlayer_lowered  }
0x9b: {  	s22 =	simm.s32 $0x1BFF;
	s21 =	sshll.u32 s5, $0x1;
	s2 =	sadd.s32 s19, s18  }
0x9c: {  	s6 =	simm.s32 $0x0;
	s20 =	sshll.u32 s4, $0x1;
	s4 =	sadd.s32 s21, s2  }
0x9d: {  	[timem:s6], [sflag:s22] =	dma.local [hbm:s4], s20  }
0x9e: {  	_ =	swait.ge [sflag:s22], s20  }
0x9f: {  	s3 =	ssub.s32 $0x0, s20;
	[sflag:s22] =	ssyncset.done $0x0  }
0xa0: {  	[sflag:s22] =	ssyncadd.s32 s3;
	_ =	sdelay $0x1  }
0xa1: {  	s23 =	simm.s32 $0x1B8B  }
0xa2: {  	_ =	swait.ge [sflag:s23], $0x1  }
0xa3: {  	[sflag:s23] =	ssyncset.done $0x0  }
0xa4: {  	s25 =	simm.s32 $0x1B8E;
	s24 =	sld [smem:$0x3FFE];
	[sflag:s23] =	ssyncadd.s32 $0xFFFFFFFF  }
0xa5: {  	s26 =	simm.s32 $execute0_lowered;
	[smem:$0x3FD2] =	sst s25  }
0xa6: {  	s4 =	sshll.u32 s26, $0x1;
	_ =	strace $0x80000049;
	[dreg:$0x1] =	wrdreg $0xFFFFFFFF  }
0xa7: {  	s28 =	simm.s32 $_size_execute0_lowered;
	s2 =	sadd.s32 s2, s4;
	[dreg:$0x0] =	wrdreg $0x0  }
0xa8: {  	s4 =	sshll.u32 s28, $0x1;
	[dreg:$0x2] =	wrdreg s2  }
0xa9: {  	[dreg:$0x3] =	wrdreg s4  }
0xaa: {  	[dreg:$0x4] =	wrdreg $0xC0  }
0xab: {  	_ =	task [dreg:s6], $0x5FFFF  }
0xac: {  	[dreg:$0x1] =	wrdreg $0xFFFFFFFF  }
0xad: {  	[dreg:$0x0] =	wrdreg $0x60  }
0xae: {  	[dreg:$0x2] =	wrdreg s24  }
0xaf: {  	[dreg:$0x3] =	wrdreg $0xCD000  }
0xb0: {  	[dreg:$0x4] =	wrdreg $0x9  }
0xb1: {  	_ =	task.clear_ibuf [dreg:s6], $0x5FFFF;
	_ =	strace $0x90000049  }
0xb2: {  	s29 =	simm.s32 $0x9;
	_ =	strace $0x8000004B  }
0xb3: {  	_ =	swait.ge [sflag:s29], $0x1  }
0xb4: {  	[sflag:s29] =	ssyncadd.s32 $0xFFFFFFFF  }
0xb5: {  	_ =	strace $0x9000004B  }
0xb6: {  	_ =	sfence  }
0xb7: {  	s30 =	sld [smem:$0x0];
	_ =	sdelay $0x2  }
0xb8: {  	s31 =	sshll.u32 s1, $0xD;
	s1 =	sshrl.u32 s1, $0x2  }
0xb9: {  	s3 =	sand.u32 $0x4000, s31;
	s1 =	sadd.s32 s1, s30  }
0xba: {  	s0 =	sor.u32 s3, s0;
	s1 =	sshll.u32 s1, $0x11  }
0xbb: {  	s0 =	sor.u32 s1, s0  }
0xbc: {  	s0 =	sadd.s32 $0x8F2B, s0  }
0xbd: {  	[sflag:s0] =	ssyncadd.remote.s32 $0x1  }
0xbe: {  	_ =	sfence.sel $0xFFFF  }
0xbf: {  	[dreg:$0x0] =	wrdreg $0xFFFFFFFF;
	(pc) =	sbr.abs _section_cstart, $3  }
0xc0: {  	[dreg:$0x1] =	wrdreg $0xFFFFFFFF  }
0xc1: {  	_ =	task.clear_ibuf [dreg:s6], $0x2FFFF;
	_ =	strace $0x9FFFFFFF  }
0xc2: {  	(tm) =	ssettm $0x7FFFFFFF  }
0xc3: {  	_ =	shalt  }
tec
execute0_lowered:
.L_overlay_start_1:
0x0: {  	(tag) =	ssettag $0x1  }
0x1: {  	s6 =	rddreg [dreg:$0x0]  }
0x2: {  	s0 =	srdreg.scid;
	s1 =	rddreg [dreg:$0x1]  }
0x3: {  	s8 =	stileid.u32;
	s2 =	simm.s32 $0x0;
	s12 =	simm.s32 $0x7D  }
0x4: {  	s13 =	simm.s32 $0x5000;
	s15 =	simm.s32 $0x6F40;
	s17 =	simm.s32 $0x8E80  }
0x5: {  	s19 =	simm.s32 $0xADC0;
	s20 =	simm.s32 $0x1;
	s21 =	simm.s32 $0x5  }
0x6: {  	s22 =	simm.s32 $0x2;
	s23 =	simm.s32 $0x6;
	s24 =	simm.s32 $0x3  }
0x7: {  	s25 =	simm.s32 $0x7;
	s28 =	simm.s32 $0x8;
	s29 =	simm.s32 $0x4E00  }
0x8: {  	s30 =	simm.s32 $0x4E80;
	s31 =	simm.s32 $0x4F00;
	s0 =	sand.u32 $0x1, s0  }
0x9: {  	[smem:$0x7FF] =	sst s2;
	s4 =	sadd.s32 $0x16600, s6;
	s26 =	sadd.s32 $0x97A00, s6  }
0xa: {  	p0 =	sne.s32 s8, $0x0;
	s3 =	sshll.u32 s0, $0x4;
	_ =	strace $0x8000004A  }
0xb: {  	s5 =	smul.u32 $0x13C00, s0;
	s0 =	ssub.s32 $0x2, s0;
	s3 =	sor.u32 s8, s3  }
0xc: {  	s10 =	sshrl.u32 s0, $0x1;
	s8 =	simm.s32 $0x9;
	s9 =	smul.u32 $0x500, s3  }
0xd: {  	s3 =	sadd.s32 $0x2A00, s6;
	s11 =	sadd.s32 s5, s6;
	s0 =	ssub.s32 s0, s10  }
0xe: {  	s10 =	simm.s32 $0x0;
	s7 =	sadd.s32 s9, s6;
	s6 =	sadd.s32 $0x2A200, s11  }
0xf: {  	s9 =	sadd.s32 s9, s26;
	s11 =	sshrl.u32 @!p0 s1, $0x3;
	s26 =	simm.s32 $0x4  }
0x10: {  	s5 =	sadd.s32 $0x8DA00, s7;
	s7 =	smax.u32 s0, $0x1;
	s0 =	simm.s32 $0x4F80  }
.LBB2_1:
0x11: {  	[tilespmem:s2], [sflag:$0x9] =	stream.linear.gather [hbm4b:s5+s2], $0x2800, $0x38;
	[tilespmem:$0x16B00] =	vst v63  }
0x12: {  	_ =	swait.ge [sflag:s8], $0x2800  }
0x13: {  	[sflag:s8] =	ssyncset.done $0x0  }
0x14: {  	s14 =	simm.s32 $0x2800;
	[sflag:s8] =	ssyncadd.s32 $0xFFFFD800  }
0x15: {  	[tilespmem:s14], [sflag:$0x9] =	stream.linear.gather [hbm4b:s9+s2], $0x2800, $0x38;
	[tilespmem:$0x16B00] =	vst v63  }
0x16: {  	_ =	swait.ge [sflag:s8], $0x2800  }
0x17: {  	[sflag:s8] =	ssyncset.done $0x0  }
0x18: {  	s14 =	simm.s32 @!p0 $0x1C09;
	[sflag:s8] =	ssyncadd.s32 $0xFFFFD800  }
0x19: {  	[spmem:s11], [sflag:s14] =	dma.local @!p0 [hbm:s4], $0x13C00  }
0x1a: {  	s14 =	simm.s32 @!p0 $0x9  }
0x1b: {  	_ =	swait.ge @!p0 [sflag:s14], $0x13C00  }
0x1c: {  	[sflag:s14] =	ssyncset.done @!p0 $0x0  }
0x1d: {  	[sflag:s14] =	ssyncadd.s32 @!p0 $0xFFFEC400  }
0x1e: {  	[bflag:$0x0] =	sbarrier.arrive $0xFFFF  }
0x1f: {  	[tilespmem:s13], [sflag:$0x1] =	stream.indirect.gather [hbm4b:s3+s12], $0x40, s2, s12, $0xb8;
	[tilespmem:$0x16B00] =	vst v63  }
0x20: {  	s16 =	simm.s32 $0x80  }
0x21: {  	[tilespmem:s15], [sflag:$0x2] =	stream.indirect.gather [hbm4b:s3+s12], $0x40, s16, s12, $0xb8;
	[tilespmem:$0x16B00] =	vst v63  }
0x22: {  	s18 =	simm.s32 $0x100  }
0x23: {  	[tilespmem:s17], [sflag:$0x3] =	stream.indirect.gather [hbm4b:s3+s12], $0x40, s18, s12, $0xb8;
	[tilespmem:$0x16B00] =	vst v63  }
0x24: {  	s16 =	simm.s32 $0x180  }
0x25: {  	[tilespmem:s19], [sflag:$0x4] =	stream.indirect.gather [hbm4b:s3+s12], $0x40, s16, s12, $0xb8;
	[tilespmem:$0x16B00] =	vst v63  }
0x26: {  	_ =	swait.ge [sflag:s20], $0x1F40  }
0x27: {  	[sflag:s20] =	ssyncset.done $0x0  }
0x28: {  	s18 =	simm.s32 $0x2800;
	[sflag:s20] =	ssyncadd.s32 $0xFFFFE0C0  }
0x29: {  	[spmem:s1] =	stream.indirect.scatter.add.f32 [tilespmem:s13], [sflag:$0x5], $0x40, s18, s12, $0xb8;
	[tilespmem:$0x16B00] =	vst v63  }
0x2a: {  	_ =	swait.ge [sflag:s21], $0x1F40  }
0x2b: {  	[sflag:s21] =	ssyncset.done $0x0  }
0x2c: {  	s16 =	simm.s32 $0x200;
	[sflag:s21] =	ssyncadd.s32 $0xFFFFE0C0  }
0x2d: {  	[tilespmem:s13], [sflag:$0x1] =	stream.indirect.gather [hbm4b:s3+s12], $0x40, s16, s12, $0xb8;
	[tilespmem:$0x16B00] =	vst v63  }
0x2e: {  	_ =	swait.ge [sflag:s22], $0x1F40  }
0x2f: {  	[sflag:s22] =	ssyncset.done $0x0  }
0x30: {  	s18 =	simm.s32 $0x2880;
	[sflag:s22] =	ssyncadd.s32 $0xFFFFE0C0  }
0x31: {  	[spmem:s1] =	stream.indirect.scatter.add.f32 [tilespmem:s15], [sflag:$0x6], $0x40, s18, s12, $0xb8;
	[tilespmem:$0x16B00] =	vst v63  }
0x32: {  	_ =	swait.ge [sflag:s23], $0x1F40  }
0x33: {  	[sflag:s23] =	ssyncset.done $0x0  }
0x34: {  	s16 =	simm.s32 $0x280;
	[sflag:s23] =	ssyncadd.s32 $0xFFFFE0C0  }
0x35: {  	[tilespmem:s15], [sflag:$0x2] =	stream.indirect.gather [hbm4b:s3+s12], $0x40, s16, s12, $0xb8;
	[tilespmem:$0x16B00] =	vst v63  }
0x36: {  	_ =	swait.ge [sflag:s24], $0x1F40  }
0x37: {  	[sflag:s24] =	ssyncset.done $0x0  }
0x38: {  	s18 =	simm.s32 $0x2900;
	[sflag:s24] =	ssyncadd.s32 $0xFFFFE0C0  }
0x39: {  	[spmem:s1] =	stream.indirect.scatter.add.f32 [tilespmem:s17], [sflag:$0x7], $0x40, s18, s12, $0xb8;
	[tilespmem:$0x16B00] =	vst v63  }
0x3a: {  	_ =	swait.ge [sflag:s25], $0x1F40  }
0x3b: {  	[sflag:s25] =	ssyncset.done $0x0  }
0x3c: {  	s16 =	simm.s32 $0x300;
	[sflag:s25] =	ssyncadd.s32 $0xFFFFE0C0  }
0x3d: {  	[tilespmem:s17], [sflag:$0x3] =	stream.indirect.gather [hbm4b:s3+s12], $0x40, s16, s12, $0xb8;
	[tilespmem:$0x16B00] =	vst v63  }
0x3e: {  	_ =	swait.ge [sflag:s26], $0x1F40  }
0x3f: {  	[sflag:s26] =	ssyncset.done $0x0  }
0x40: {  	s18 =	simm.s32 $0x2980;
	[sflag:s26] =	ssyncadd.s32 $0xFFFFE0C0  }
0x41: {  	[spmem:s1] =	stream.indirect.scatter.add.f32 [tilespmem:s19], [sflag:$0x8], $0x40, s18, s12, $0xb8;
	[tilespmem:$0x16B00] =	vst v63  }
0x42: {  	_ =	swait.ge [sflag:s28], $0x1F40  }
0x43: {  	[sflag:s28] =	ssyncset.done $0x0  }
0x44: {  	s14 =	simm.s32 $0x800;
	s16 =	simm.s32 $0x380;
	[sflag:s28] =	ssyncadd.s32 $0xFFFFE0C0  }
.LBB2_2:
0x45: {  	[tilespmem:s19], [sflag:$0x4] =	stream.indirect.gather [hbm4b:s3+s12], $0x40, s16, s12, $0xb8;
	[tilespmem:$0x16B00] =	vst v63  }
0x46: {  	s16 =	smov.u32 s14  }
0x47: {  	p1 =	sne.s32 s14, $0x9000;
	s14 =	sadd.s32 $0x800, s14;
	_ =	swait.ge [sflag:s20], $0x1F40  }
0x48: {  	s16 =	sshra.s32 s16, $0x2;
	[sflag:s20] =	ssyncset.done $0x0  }
0x49: {  	s18 =	sadd.s32 $0x2800, s16;
	[sflag:s20] =	ssyncadd.s32 $0xFFFFE0C0  }
0x4a: {  	[spmem:s1] =	stream.indirect.scatter.add.f32 [tilespmem:s13], [sflag:$0x5], $0x40, s18, s12, $0xb8;
	[tilespmem:$0x16B00] =	vst v63  }
0x4b: {  	_ =	swait.ge [sflag:s21], $0x1F40  }
0x4c: {  	[sflag:s21] =	ssyncset.done $0x0  }
0x4d: {  	s18 =	sadd.s32 $0x200, s16;
	[sflag:s21] =	ssyncadd.s32 $0xFFFFE0C0  }
0x4e: {  	[tilespmem:s13], [sflag:$0x1] =	stream.indirect.gather [hbm4b:s3+s12], $0x40, s18, s12, $0xb8;
	[tilespmem:$0x16B00] =	vst v63  }
0x4f: {  	_ =	swait.ge [sflag:s22], $0x1F40  }
0x50: {  	[sflag:s22] =	ssyncset.done $0x0  }
0x51: {  	s18 =	sadd.s32 $0x2880, s16;
	[sflag:s22] =	ssyncadd.s32 $0xFFFFE0C0  }
0x52: {  	[spmem:s1] =	stream.indirect.scatter.add.f32 [tilespmem:s15], [sflag:$0x6], $0x40, s18, s12, $0xb8;
	[tilespmem:$0x16B00] =	vst v63  }
0x53: {  	_ =	swait.ge [sflag:s23], $0x1F40  }
0x54: {  	[sflag:s23] =	ssyncset.done $0x0  }
0x55: {  	s18 =	sadd.s32 $0x280, s16;
	[sflag:s23] =	ssyncadd.s32 $0xFFFFE0C0  }
0x56: {  	[tilespmem:s15], [sflag:$0x2] =	stream.indirect.gather [hbm4b:s3+s12], $0x40, s18, s12, $0xb8;
	[tilespmem:$0x16B00] =	vst v63  }
0x57: {  	_ =	swait.ge [sflag:s24], $0x1F40  }
0x58: {  	[sflag:s24] =	ssyncset.done $0x0  }
0x59: {  	s18 =	sadd.s32 $0x2900, s16;
	[sflag:s24] =	ssyncadd.s32 $0xFFFFE0C0  }
0x5a: {  	[spmem:s1] =	stream.indirect.scatter.add.f32 [tilespmem:s17], [sflag:$0x7], $0x40, s18, s12, $0xb8;
	[tilespmem:$0x16B00] =	vst v63  }
0x5b: {  	_ =	swait.ge [sflag:s25], $0x1F40  }
0x5c: {  	[sflag:s25] =	ssyncset.done $0x0  }
0x5d: {  	s18 =	sadd.s32 $0x300, s16;
	[sflag:s25] =	ssyncadd.s32 $0xFFFFE0C0  }
0x5e: {  	[tilespmem:s17], [sflag:$0x3] =	stream.indirect.gather [hbm4b:s3+s12], $0x40, s18, s12, $0xb8;
	[tilespmem:$0x16B00] =	vst v63  }
0x5f: {  	_ =	swait.ge [sflag:s26], $0x1F40  }
0x60: {  	[sflag:s26] =	ssyncset.done $0x0  }
.Ltmp0:
0x61: {  	s18 =	sadd.s32 $0x2980, s16;
	[sflag:s26] =	ssyncadd.s32 $0xFFFFE0C0;
	(pc) =	sbr.rel @p1 .LBB2_2-.Ltmp0, $4  }
0x62: {  	[spmem:s1] =	stream.indirect.scatter.add.f32 [tilespmem:s19], [sflag:$0x8], $0x40, s18, s12, $0xb8;
	[tilespmem:$0x16B00] =	vst v63  }
0x63: {  	_ =	swait.ge [sflag:s28], $0x1F40  }
0x64: {  	[sflag:s28] =	ssyncset.done $0x0  }
0x65: {  	s16 =	sadd.s32 $0x380, s16;
	[sflag:s28] =	ssyncadd.s32 $0xFFFFE0C0  }
0x66: {  	[tilespmem:s19], [sflag:$0x4] =	stream.indirect.gather [hbm4b:s3+s12], $0x40, s16, s12, $0xb8;
	[tilespmem:$0x16B00] =	vst v63  }
0x67: {  	_ =	swait.ge [sflag:s20], $0x1F40  }
0x68: {  	[sflag:s20] =	ssyncset.done $0x0  }
0x69: {  	[sflag:s20] =	ssyncadd.s32 $0xFFFFE0C0  }
0x6a: {  	[spmem:s1] =	stream.indirect.scatter.add.f32 [tilespmem:s13], [sflag:$0x5], $0x40, s29, s12, $0xb8;
	[tilespmem:$0x16B00] =	vst v63  }
0x6b: {  	_ =	swait.ge [sflag:s21], $0x1F40  }
0x6c: {  	[sflag:s21] =	ssyncset.done $0x0  }
0x6d: {  	[sflag:s21] =	ssyncadd.s32 $0xFFFFE0C0  }
0x6e: {  	_ =	swait.ge [sflag:s22], $0x1F40  }
0x6f: {  	[sflag:s22] =	ssyncset.done $0x0  }
0x70: {  	[sflag:s22] =	ssyncadd.s32 $0xFFFFE0C0  }
0x71: {  	[spmem:s1] =	stream.indirect.scatter.add.f32 [tilespmem:s15], [sflag:$0x6], $0x40, s30, s12, $0xb8;
	[tilespmem:$0x16B00] =	vst v63  }
0x72: {  	_ =	swait.ge [sflag:s23], $0x1F40  }
0x73: {  	[sflag:s23] =	ssyncset.done $0x0  }
0x74: {  	[sflag:s23] =	ssyncadd.s32 $0xFFFFE0C0  }
0x75: {  	_ =	swait.ge [sflag:s24], $0x1F40  }
0x76: {  	[sflag:s24] =	ssyncset.done $0x0  }
0x77: {  	[sflag:s24] =	ssyncadd.s32 $0xFFFFE0C0  }
0x78: {  	[spmem:s1] =	stream.indirect.scatter.add.f32 [tilespmem:s17], [sflag:$0x7], $0x40, s31, s12, $0xb8;
	[tilespmem:$0x16B00] =	vst v63  }
0x79: {  	_ =	swait.ge [sflag:s25], $0x1F40  }
0x7a: {  	[sflag:s25] =	ssyncset.done $0x0  }
0x7b: {  	[sflag:s25] =	ssyncadd.s32 $0xFFFFE0C0  }
0x7c: {  	_ =	swait.ge [sflag:s26], $0x1F40  }
0x7d: {  	[sflag:s26] =	ssyncset.done $0x0  }
0x7e: {  	[sflag:s26] =	ssyncadd.s32 $0xFFFFE0C0  }
0x7f: {  	[spmem:s1] =	stream.indirect.scatter.add.f32 [tilespmem:s19], [sflag:$0x8], $0x40, s0, s12, $0xb8;
	[tilespmem:$0x16B00] =	vst v63  }
0x80: {  	_ =	swait.ge [sflag:s28], $0x1F40  }
0x81: {  	[sflag:s28] =	ssyncset.done $0x0  }
0x82: {  	s10 =	sadd.s32 $0x1, s10;
	[sflag:s28] =	ssyncadd.s32 $0xFFFFE0C0  }
0x83: {  	s14 =	simm.s32 @!p0 $0x1C09;
	p1 =	sne.s32 s10, s7;
	[bflag:$0x0] =	sbarrier.arrive $0xFFFF  }
0x84: {  	[hbm:s6], [sflag:s14] =	dma.local @!p0 [spmem:s11], $0x13C00  }
.Ltmp1:
0x85: {  	_ = 	snop;
	(pc) =	sbr.rel @p1 .LBB2_1-.Ltmp1, $4  }
0x86: {  	s14 =	simm.s32 @!p0 $0x9  }
0x87: {  	_ =	swait.ge @!p0 [sflag:s14], $0x13C00  }
0x88: {  	[sflag:s14] =	ssyncset.done @!p0 $0x0  }
0x89: {  	[sflag:s14] =	ssyncadd.s32 @!p0 $0xFFFEC400  }
0x8a: {  	_ =	sfence.sel $0x180000  }
0x8b: {  	[bflag:$0x0] =	sbarrier.arrive $0xFFFF  }
0x8c: {  	_ =	strace $0x9000004A  }
0x8d: {  	[bflag:$0x2] =	sbarrier.arrive $0xFFFF  }
0x8e: {  	s0 =	rddreg [dreg:$0x2]  }
0x8f: {  	s0 =	sadd.s32 @!p0 $0x100000, s0  }
0x90: {  	[sflag:s0] =	ssyncadd.tile.s32 @!p0 $0x1;
	_ =	shalt  }
.Lfunc_end2:
_tile_overlayer_lowered:
.L_overlay_start_2:
0x91: {  	(tag) =	ssettag $0x2  }
0x92: {  	s0 =	rddreg [dreg:$0x0];
	s2 =	stileid.u32  }
0x93: {  	s1 =	rddreg [dreg:$0x1];
	p0 =	sne.s32 s2, $0x0  }
0x94: {  	s3 =	rddreg [dreg:$0x2];
	[bflag:$0x3] =	sbarrier.arrive $0xFFFF;
	s2 =	simm.s32 @!p0 $0x1C09  }
0x95: {  	[timem:s3], [sflag:s2] =	dma.local @!p0 [hbm:s0], s1  }
0x96: {  	s0 =	simm.s32 @!p0 $0x9  }
0x97: {  	_ =	swait.ge @!p0 [sflag:s0], s1  }
0x98: {  	s1 =	ssub.s32 @!p0 $0x0, s1;
	[sflag:s0] =	ssyncset.done @!p0 $0x0  }
0x99: {  	[sflag:s0] =	ssyncadd.s32 @!p0 s1  }
0x9a: {  	[bflag:$0x3] =	sbarrier.arrive $0xFFFF  }
0x9b: {  	_ =	shalt  }

// kernel: kernel.15.cloned.1.call-start
scs
__scs_entry_jumppad:
0x0: {  	(pc) =	sbr.rel $0x88, $3  }
0x1: {  	(tag) =	ssettag $0x0;
	lr =	simm.s32 $0x1  }
0x2: {  	[smem:$0x3F99] =	sst lr;
	_ =	strace $0xD0000000  }
0x3: {  	_ = 	snop  }
0x4: {  	_ = 	snop  }
0x5: {  	_ = 	snop  }
0x6: {  	_ = 	snop  }
0x7: {  	_ = 	snop  }
__scs_overlays_trampoline_lowered:
0x8: {  	[smem:$0x3FA8] =	sst s0  }
0x9: {  	[smem:$0x3FA9] =	sst s1  }
0xa: {  	[smem:$0x3FAA] =	sst s2  }
0xb: {  	[smem:$0x3FAB] =	sst s3  }
0xc: {  	[smem:$0x3FAC] =	sst s4  }
0xd: {  	[smem:$0x3FAD] =	sst s5  }
0xe: {  	[smem:$0x3FAE] =	sst s6  }
0xf: {  	[smem:$0x3FAF] =	sst s7  }
0x10: {  	[smem:$0x3FB0] =	sst s8  }
0x11: {  	[smem:$0x3FB1] =	sst s9;
	s0 =	simm.s32 @!p0 $0x0  }
0x12: {  	s1 =	sld [smem:$0x3F97];
	s0 =	simm.s32 @p0 $0x1  }
0x13: {  	[smem:$0x3FB2] =	sst s0;
	s0 =	simm.s32 @!p1 $0x0  }
0x14: {  	s2 =	sld [smem:$0x3F96];
	s0 =	simm.s32 @p1 $0x1  }
0x15: {  	[smem:$0x3FB3] =	sst s0;
	s0 =	simm.s32 @!p2 $0x0  }
0x16: {  	s3 =	sld [smem:$0x3FDB];
	s0 =	simm.s32 @p2 $0x1  }
0x17: {  	s4 =	simm.s32 $0x1BF5;
	[smem:$0x3FB5] =	sst s0  }
0x18: {  	s0 =	sld [smem:$0x3F98];
	_ =	swait.ge [sflag:s4], $0x0  }
0x19: {  	s7 =	sld [smem:$0x3F99]  }
0x1a: {  	s8 =	sadd.s32 $0xFFFFE003, lr  }
0x1b: {  	s9 =	sadd.s32 $0xFFFFFEF7, lr;
	s5 =	simm.s32 $0xFFFFFFFF;
	p2 =	slt.u32 s8, $0xFFFFF086  }
0x1c: {  	p1 =	slt.u32 s9, $0xF7A;
	s5 =	simm.s32 @!p2 $0x0  }
0x1d: {  	s5 =	simm.s32 @p1 $0x1;
	p0 =	seq.s32 s7, s2  }
0x1e: {  	s7 =	smul.u32 @!p0 $0xF7A, s2;
	p2 =	seq.s32 @!p0 s5, $0x0  }
0x1f: {  	s9 =	smul.u32 $0xF7A, s1;
	s8 =	simm.s32 @!p0 $0x1BF5;
	p2 =	por !p2, p0  }
0x20: {  	[sflag:s8] =	ssyncset.s32 @!p0 $0xFFFFF086;
	s6 =	sadd.s32 @!p0 s3, s7;
	s7 =	simm.s32 @!p0 $0x108  }
0x21: {  	s3 =	sadd.s32 s3, s9;
	s6 =	sadd.s32 @!p0 $0x88, s6;
	s7 =	simm.s32 @p2 $0x1082  }
0x22: {  	[simem:s7], [sflag:s8] =	dma.local @!p0 [hbm:s6], $0xF7A  }
0x23: {  	s9 =	sor.u32 $0xD0000000, s2;
	s6 =	simm.s32 $0x108;
	_ =	swait.ge @!p0 [sflag:s8], $0x0  }
0x24: {  	s3 =	sadd.s32 $0x88, s3;
	s6 =	simm.s32 @!p1 $0x1082;
	[sflag:s4] =	ssyncset.s32 $0xFFFFF086  }
0x25: {  	[simem:s6], [sflag:s4] =	dma.local [hbm:s3], $0xF7A  }
0x26: {  	[smem:$0x3F99] =	sst s1;
	(tag) =	ssettag s2;
	_ =	strace s9  }
0x27: {  	s1 =	sld [smem:$0x3FA9]  }
0x28: {  	s2 =	sld [smem:$0x3FAA]  }
0x29: {  	s4 =	sld [smem:$0x3FAC]  }
0x2a: {  	p0 =	seq.s32 s5, $0x0;
	s5 =	sld [smem:$0x3FAD]  }
0x2b: {  	s6 =	sld [smem:$0x3FAE]  }
0x2c: {  	s7 =	sld [smem:$0x3FAF]  }
0x2d: {  	s3 =	simm.s32 $0x108;
	s8 =	sld [smem:$0x3FB0]  }
0x2e: {  	s3 =	simm.s32 @!p0 $0x1082;
	s9 =	sld [smem:$0x3FB1]  }
0x2f: {  	lr =	sadd.s32 s0, s3;
	s0 =	sld [smem:$0x3FA8]  }
0x30: {  	s3 =	sld [smem:$0x3FAB]  }
0x31: {  	[smem:$0x3FB4] =	sst s10  }
0x32: {  	s10 =	sld [smem:$0x3FB2];
	_ =	sdelay $0x3  }
0x33: {  	p0 =	seq.s32 s10, $0x1;
	s10 =	sld [smem:$0x3FB4];
	_ =	sdelay $0x3  }
0x34: {  	[smem:$0x3FB4] =	sst s10  }
0x35: {  	s10 =	sld [smem:$0x3FB3];
	_ =	sdelay $0x3  }
0x36: {  	p1 =	seq.s32 s10, $0x1;
	s10 =	sld [smem:$0x3FB4];
	_ =	sdelay $0x3  }
0x37: {  	[smem:$0x3FB4] =	sst s10  }
0x38: {  	s10 =	sld [smem:$0x3FB5]  }
0x39: {  	_ = 	snop;
	(pc) =	sbr.ind lr, $3  }
0x3a: {  	_ = 	snop  }
0x3b: {  	_ = 	snop  }
0x3c: {  	p2 =	seq.s32 s10, $0x1;
	s10 =	sld [smem:$0x3FB4]  }
0x3d: {  	_ =	shalt  }
0x3e: {  	_ =	shalt  }
0x3f: {  	_ =	shalt  }
0x40: {  	_ =	shalt  }
0x41: {  	_ =	shalt  }
0x42: {  	_ =	shalt  }
0x43: {  	_ =	shalt  }
0x44: {  	_ =	shalt  }
0x45: {  	_ =	shalt  }
0x46: {  	_ =	shalt  }
0x47: {  	_ =	shalt  }
0x48: {  	_ =	shalt  }
0x49: {  	_ =	shalt  }
0x4a: {  	_ =	shalt  }
0x4b: {  	_ =	shalt  }
0x4c: {  	_ =	shalt  }
0x4d: {  	_ =	shalt  }
0x4e: {  	_ =	shalt  }
0x4f: {  	_ =	shalt  }
0x50: {  	_ =	shalt  }
0x51: {  	_ =	shalt  }
0x52: {  	_ =	shalt  }
0x53: {  	_ =	shalt  }
0x54: {  	_ =	shalt  }
0x55: {  	_ =	shalt  }
0x56: {  	_ =	shalt  }
0x57: {  	_ =	shalt  }
0x58: {  	_ =	shalt  }
0x59: {  	_ =	shalt  }
0x5a: {  	_ =	shalt  }
0x5b: {  	_ =	shalt  }
0x5c: {  	_ =	shalt  }
0x5d: {  	_ =	shalt  }
0x5e: {  	_ =	shalt  }
0x5f: {  	_ =	shalt  }
0x60: {  	_ =	shalt  }
0x61: {  	_ =	shalt  }
0x62: {  	_ =	shalt  }
0x63: {  	_ =	shalt  }
0x64: {  	_ =	shalt  }
0x65: {  	_ =	shalt  }
0x66: {  	_ =	shalt  }
0x67: {  	_ =	shalt  }
0x68: {  	_ =	shalt  }
0x69: {  	_ =	shalt  }
0x6a: {  	_ =	shalt  }
0x6b: {  	_ =	shalt  }
0x6c: {  	_ =	shalt  }
0x6d: {  	_ =	shalt  }
0x6e: {  	_ =	shalt  }
0x6f: {  	_ =	shalt  }
0x70: {  	_ =	shalt  }
0x71: {  	_ =	shalt  }
0x72: {  	_ =	shalt  }
0x73: {  	_ =	shalt  }
0x74: {  	_ =	shalt  }
0x75: {  	_ =	shalt  }
0x76: {  	_ =	shalt  }
0x77: {  	_ =	shalt  }
0x78: {  	_ =	shalt  }
0x79: {  	_ =	shalt  }
0x7a: {  	_ =	shalt  }
0x7b: {  	_ =	shalt  }
0x7c: {  	_ =	shalt  }
0x7d: {  	_ =	shalt  }
0x7e: {  	_ =	shalt  }
0x7f: {  	_ =	shalt  }
0x80: {  	_ =	shalt  }
0x81: {  	_ =	shalt  }
0x82: {  	_ =	shalt  }
0x83: {  	_ =	shalt  }
0x84: {  	_ =	shalt  }
0x85: {  	_ =	shalt  }
0x86: {  	_ =	shalt  }
0x87: {  	_ =	shalt  }
.Lfunc_end0:
.L_simem_size_0:
called_computation.2_lowered:
.L_overlay_start_0:
0x88: {  	s2 =	sld [smem:$0x3FD9]  }
0x89: {  	s3 =	sld [smem:$0x3FFE];
	_ =	sdelay $0x1  }
0x8a: {  	s1 =	srdreg.scid  }
0x8b: {  	s0 =	sand.u32 $0x1, s1  }
0x8c: {  	s16 =	sshll.u32 s0, $0xA;
	s2 =	sadd.s32 s3, s2  }
0x8d: {  	s2 =	sadd.s32 s2, s16  }
0x8e: {  	[smem:$0x3FC0] =	sst s2  }
0x8f: {  	_ = 	snop  }
0x90: {  	(tm) =	ssettm $0x1  }
0x91: {  	s17 =	sld [smem:$0x3FFB];
	_ =	sdelay $0x3  }
0x92: {  	_ =	strace s17  }
0x93: {  	s2 =	sld [smem:$0x3FFC];
	_ =	sdelay $0x3  }
0x94: {  	_ =	strace s2  }
0x95: {  	s2 =	sld [smem:$0x3FFD];
	_ =	sdelay $0x3  }
0x96: {  	_ =	strace s2  }
0x97: {  	_ =	strace $0x8FFFFFFF  }
0x98: {  	s18 =	sld [smem:$0x3FDB];
	_ =	sdelay $0x1  }
0x99: {  	s19 =	simm.s32 $_scs_section_size  }
0x9a: {  	s4 =	simm.s32 $_size__tile_overlayer_lowered;
	s5 =	simm.s32 $_tile_overlayer_lowered  }
0x9b: {  	s22 =	simm.s32 $0x1BFF;
	s21 =	sshll.u32 s5, $0x1;
	s2 =	sadd.s32 s19, s18  }
0x9c: {  	s6 =	simm.s32 $0x0;
	s20 =	sshll.u32 s4, $0x1;
	s4 =	sadd.s32 s21, s2  }
0x9d: {  	[timem:s6], [sflag:s22] =	dma.local [hbm:s4], s20  }
0x9e: {  	_ =	swait.ge [sflag:s22], s20  }
0x9f: {  	s3 =	ssub.s32 $0x0, s20;
	[sflag:s22] =	ssyncset.done $0x0  }
0xa0: {  	[sflag:s22] =	ssyncadd.s32 s3;
	_ =	sdelay $0x1  }
0xa1: {  	s23 =	simm.s32 $0x1B8B  }
0xa2: {  	_ =	swait.ge [sflag:s23], $0x1  }
0xa3: {  	[sflag:s23] =	ssyncset.done $0x0  }
0xa4: {  	s25 =	simm.s32 $0x1B8E;
	s24 =	sld [smem:$0x3FFE];
	[sflag:s23] =	ssyncadd.s32 $0xFFFFFFFF  }
0xa5: {  	s26 =	simm.s32 $execute0_lowered;
	[smem:$0x3FD2] =	sst s25  }
0xa6: {  	s4 =	sshll.u32 s26, $0x1;
	_ =	strace $0x8000004C;
	[dreg:$0x1] =	wrdreg $0xFFFFFFFF  }
0xa7: {  	s28 =	simm.s32 $_size_execute0_lowered;
	s2 =	sadd.s32 s2, s4;
	[dreg:$0x0] =	wrdreg $0x0  }
0xa8: {  	s4 =	sshll.u32 s28, $0x1;
	[dreg:$0x2] =	wrdreg s2  }
0xa9: {  	[dreg:$0x3] =	wrdreg s4  }
0xaa: {  	[dreg:$0x4] =	wrdreg $0xC0  }
0xab: {  	_ =	task [dreg:s6], $0x5FFFF  }
0xac: {  	[dreg:$0x1] =	wrdreg $0xFFFFFFFF  }
0xad: {  	[dreg:$0x0] =	wrdreg $0x60  }
0xae: {  	[dreg:$0x2] =	wrdreg s24  }
0xaf: {  	[dreg:$0x3] =	wrdreg $0xCD000  }
0xb0: {  	[dreg:$0x4] =	wrdreg $0x9  }
0xb1: {  	_ =	task.clear_ibuf [dreg:s6], $0x5FFFF;
	_ =	strace $0x9000004C  }
0xb2: {  	s29 =	simm.s32 $0x9;
	_ =	strace $0x8000004E  }
0xb3: {  	_ =	swait.ge [sflag:s29], $0x1  }
0xb4: {  	[sflag:s29] =	ssyncadd.s32 $0xFFFFFFFF  }
0xb5: {  	_ =	strace $0x9000004E  }
0xb6: {  	_ =	sfence  }
0xb7: {  	s30 =	sld [smem:$0x0];
	_ =	sdelay $0x2  }
0xb8: {  	s31 =	sshll.u32 s1, $0xD;
	s1 =	sshrl.u32 s1, $0x2  }
0xb9: {  	s3 =	sand.u32 $0x4000, s31;
	s1 =	sadd.s32 s1, s30  }
0xba: {  	s0 =	sor.u32 s3, s0;
	s1 =	sshll.u32 s1, $0x11  }
0xbb: {  	s0 =	sor.u32 s1, s0  }
0xbc: {  	s0 =	sadd.s32 $0x8F2B, s0  }
0xbd: {  	[sflag:s0] =	ssyncadd.remote.s32 $0x1  }
0xbe: {  	_ =	sfence.sel $0xFFFF  }
0xbf: {  	[dreg:$0x0] =	wrdreg $0xFFFFFFFF;
	(pc) =	sbr.abs _section_cstart, $3  }
0xc0: {  	[dreg:$0x1] =	wrdreg $0xFFFFFFFF  }
0xc1: {  	_ =	task.clear_ibuf [dreg:s6], $0x2FFFF;
	_ =	strace $0x9FFFFFFF  }
0xc2: {  	(tm) =	ssettm $0x7FFFFFFF  }
0xc3: {  	_ =	shalt  }
tec
execute0_lowered:
.L_overlay_start_1:
0x0: {  	(tag) =	ssettag $0x1  }
0x1: {  	s6 =	rddreg [dreg:$0x0]  }
0x2: {  	s0 =	srdreg.scid;
	s1 =	rddreg [dreg:$0x1]  }
0x3: {  	s8 =	stileid.u32;
	s2 =	simm.s32 $0x0;
	s12 =	simm.s32 $0x7D  }
0x4: {  	s13 =	simm.s32 $0x5000;
	s15 =	simm.s32 $0x6F40;
	s17 =	simm.s32 $0x8E80  }
0x5: {  	s19 =	simm.s32 $0xADC0;
	s20 =	simm.s32 $0x1;
	s21 =	simm.s32 $0x5  }
0x6: {  	s22 =	simm.s32 $0x2;
	s23 =	simm.s32 $0x6;
	s24 =	simm.s32 $0x3  }
0x7: {  	s25 =	simm.s32 $0x7;
	s28 =	simm.s32 $0x8;
	s29 =	simm.s32 $0x4E00  }
0x8: {  	s30 =	simm.s32 $0x4E80;
	s31 =	simm.s32 $0x4F00;
	s0 =	sand.u32 $0x1, s0  }
0x9: {  	[smem:$0x7FF] =	sst s2;
	s4 =	sadd.s32 $0x16600, s6;
	s26 =	sadd.s32 $0x97A00, s6  }
0xa: {  	p0 =	sne.s32 s8, $0x0;
	s3 =	sshll.u32 s0, $0x4;
	_ =	strace $0x8000004D  }
0xb: {  	s5 =	smul.u32 $0x13C00, s0;
	s0 =	ssub.s32 $0x2, s0;
	s3 =	sor.u32 s8, s3  }
0xc: {  	s10 =	sshrl.u32 s0, $0x1;
	s8 =	simm.s32 $0x9;
	s9 =	smul.u32 $0x500, s3  }
0xd: {  	s3 =	sadd.s32 $0x2A00, s6;
	s11 =	sadd.s32 s5, s6;
	s0 =	ssub.s32 s0, s10  }
0xe: {  	s10 =	simm.s32 $0x0;
	s7 =	sadd.s32 s9, s6;
	s6 =	sadd.s32 $0x2A200, s11  }
0xf: {  	s9 =	sadd.s32 s9, s26;
	s11 =	sshrl.u32 @!p0 s1, $0x3;
	s26 =	simm.s32 $0x4  }
0x10: {  	s5 =	sadd.s32 $0x8DA00, s7;
	s7 =	smax.u32 s0, $0x1;
	s0 =	simm.s32 $0x4F80  }
.LBB2_1:
0x11: {  	[tilespmem:s2], [sflag:$0x9] =	stream.linear.gather [hbm4b:s5+s2], $0x2800, $0x38;
	[tilespmem:$0x16B00] =	vst v63  }
0x12: {  	_ =	swait.ge [sflag:s8], $0x2800  }
0x13: {  	[sflag:s8] =	ssyncset.done $0x0  }
0x14: {  	s14 =	simm.s32 $0x2800;
	[sflag:s8] =	ssyncadd.s32 $0xFFFFD800  }
0x15: {  	[tilespmem:s14], [sflag:$0x9] =	stream.linear.gather [hbm4b:s9+s2], $0x2800, $0x38;
	[tilespmem:$0x16B00] =	vst v63  }
0x16: {  	_ =	swait.ge [sflag:s8], $0x2800  }
0x17: {  	[sflag:s8] =	ssyncset.done $0x0  }
0x18: {  	s14 =	simm.s32 @!p0 $0x1C09;
	[sflag:s8] =	ssyncadd.s32 $0xFFFFD800  }
0x19: {  	[spmem:s11], [sflag:s14] =	dma.local @!p0 [hbm:s4], $0x13C00  }
0x1a: {  	s14 =	simm.s32 @!p0 $0x9  }
0x1b: {  	_ =	swait.ge @!p0 [sflag:s14], $0x13C00  }
0x1c: {  	[sflag:s14] =	ssyncset.done @!p0 $0x0  }
0x1d: {  	[sflag:s14] =	ssyncadd.s32 @!p0 $0xFFFEC400  }
0x1e: {  	[bflag:$0x0] =	sbarrier.arrive $0xFFFF  }
0x1f: {  	[tilespmem:s13], [sflag:$0x1] =	stream.indirect.gather [hbm4b:s3+s12], $0x40, s2, s12, $0xb8;
	[tilespmem:$0x16B00] =	vst v63  }
0x20: {  	s16 =	simm.s32 $0x80  }
0x21: {  	[tilespmem:s15], [sflag:$0x2] =	stream.indirect.gather [hbm4b:s3+s12], $0x40, s16, s12, $0xb8;
	[tilespmem:$0x16B00] =	vst v63  }
0x22: {  	s18 =	simm.s32 $0x100  }
0x23: {  	[tilespmem:s17], [sflag:$0x3] =	stream.indirect.gather [hbm4b:s3+s12], $0x40, s18, s12, $0xb8;
	[tilespmem:$0x16B00] =	vst v63  }
0x24: {  	s16 =	simm.s32 $0x180  }
0x25: {  	[tilespmem:s19], [sflag:$0x4] =	stream.indirect.gather [hbm4b:s3+s12], $0x40, s16, s12, $0xb8;
	[tilespmem:$0x16B00] =	vst v63  }
0x26: {  	_ =	swait.ge [sflag:s20], $0x1F40  }
0x27: {  	[sflag:s20] =	ssyncset.done $0x0  }
0x28: {  	s18 =	simm.s32 $0x2800;
	[sflag:s20] =	ssyncadd.s32 $0xFFFFE0C0  }
0x29: {  	[spmem:s1] =	stream.indirect.scatter.add.f32 [tilespmem:s13], [sflag:$0x5], $0x40, s18, s12, $0xb8;
	[tilespmem:$0x16B00] =	vst v63  }
0x2a: {  	_ =	swait.ge [sflag:s21], $0x1F40  }
0x2b: {  	[sflag:s21] =	ssyncset.done $0x0  }
0x2c: {  	s16 =	simm.s32 $0x200;
	[sflag:s21] =	ssyncadd.s32 $0xFFFFE0C0  }
0x2d: {  	[tilespmem:s13], [sflag:$0x1] =	stream.indirect.gather [hbm4b:s3+s12], $0x40, s16, s12, $0xb8;
	[tilespmem:$0x16B00] =	vst v63  }
0x2e: {  	_ =	swait.ge [sflag:s22], $0x1F40  }
0x2f: {  	[sflag:s22] =	ssyncset.done $0x0  }
0x30: {  	s18 =	simm.s32 $0x2880;
	[sflag:s22] =	ssyncadd.s32 $0xFFFFE0C0  }
0x31: {  	[spmem:s1] =	stream.indirect.scatter.add.f32 [tilespmem:s15], [sflag:$0x6], $0x40, s18, s12, $0xb8;
	[tilespmem:$0x16B00] =	vst v63  }
0x32: {  	_ =	swait.ge [sflag:s23], $0x1F40  }
0x33: {  	[sflag:s23] =	ssyncset.done $0x0  }
0x34: {  	s16 =	simm.s32 $0x280;
	[sflag:s23] =	ssyncadd.s32 $0xFFFFE0C0  }
0x35: {  	[tilespmem:s15], [sflag:$0x2] =	stream.indirect.gather [hbm4b:s3+s12], $0x40, s16, s12, $0xb8;
	[tilespmem:$0x16B00] =	vst v63  }
0x36: {  	_ =	swait.ge [sflag:s24], $0x1F40  }
0x37: {  	[sflag:s24] =	ssyncset.done $0x0  }
0x38: {  	s18 =	simm.s32 $0x2900;
	[sflag:s24] =	ssyncadd.s32 $0xFFFFE0C0  }
0x39: {  	[spmem:s1] =	stream.indirect.scatter.add.f32 [tilespmem:s17], [sflag:$0x7], $0x40, s18, s12, $0xb8;
	[tilespmem:$0x16B00] =	vst v63  }
0x3a: {  	_ =	swait.ge [sflag:s25], $0x1F40  }
0x3b: {  	[sflag:s25] =	ssyncset.done $0x0  }
0x3c: {  	s16 =	simm.s32 $0x300;
	[sflag:s25] =	ssyncadd.s32 $0xFFFFE0C0  }
0x3d: {  	[tilespmem:s17], [sflag:$0x3] =	stream.indirect.gather [hbm4b:s3+s12], $0x40, s16, s12, $0xb8;
	[tilespmem:$0x16B00] =	vst v63  }
0x3e: {  	_ =	swait.ge [sflag:s26], $0x1F40  }
0x3f: {  	[sflag:s26] =	ssyncset.done $0x0  }
0x40: {  	s18 =	simm.s32 $0x2980;
	[sflag:s26] =	ssyncadd.s32 $0xFFFFE0C0  }
0x41: {  	[spmem:s1] =	stream.indirect.scatter.add.f32 [tilespmem:s19], [sflag:$0x8], $0x40, s18, s12, $0xb8;
	[tilespmem:$0x16B00] =	vst v63  }
0x42: {  	_ =	swait.ge [sflag:s28], $0x1F40  }
0x43: {  	[sflag:s28] =	ssyncset.done $0x0  }
0x44: {  	s14 =	simm.s32 $0x800;
	s16 =	simm.s32 $0x380;
	[sflag:s28] =	ssyncadd.s32 $0xFFFFE0C0  }
.LBB2_2:
0x45: {  	[tilespmem:s19], [sflag:$0x4] =	stream.indirect.gather [hbm4b:s3+s12], $0x40, s16, s12, $0xb8;
	[tilespmem:$0x16B00] =	vst v63  }
0x46: {  	s16 =	smov.u32 s14  }
0x47: {  	p1 =	sne.s32 s14, $0x9000;
	s14 =	sadd.s32 $0x800, s14;
	_ =	swait.ge [sflag:s20], $0x1F40  }
0x48: {  	s16 =	sshra.s32 s16, $0x2;
	[sflag:s20] =	ssyncset.done $0x0  }
0x49: {  	s18 =	sadd.s32 $0x2800, s16;
	[sflag:s20] =	ssyncadd.s32 $0xFFFFE0C0  }
0x4a: {  	[spmem:s1] =	stream.indirect.scatter.add.f32 [tilespmem:s13], [sflag:$0x5], $0x40, s18, s12, $0xb8;
	[tilespmem:$0x16B00] =	vst v63  }
0x4b: {  	_ =	swait.ge [sflag:s21], $0x1F40  }
0x4c: {  	[sflag:s21] =	ssyncset.done $0x0  }
0x4d: {  	s18 =	sadd.s32 $0x200, s16;
	[sflag:s21] =	ssyncadd.s32 $0xFFFFE0C0  }
0x4e: {  	[tilespmem:s13], [sflag:$0x1] =	stream.indirect.gather [hbm4b:s3+s12], $0x40, s18, s12, $0xb8;
	[tilespmem:$0x16B00] =	vst v63  }
0x4f: {  	_ =	swait.ge [sflag:s22], $0x1F40  }
0x50: {  	[sflag:s22] =	ssyncset.done $0x0  }
0x51: {  	s18 =	sadd.s32 $0x2880, s16;
	[sflag:s22] =	ssyncadd.s32 $0xFFFFE0C0  }
0x52: {  	[spmem:s1] =	stream.indirect.scatter.add.f32 [tilespmem:s15], [sflag:$0x6], $0x40, s18, s12, $0xb8;
	[tilespmem:$0x16B00] =	vst v63  }
0x53: {  	_ =	swait.ge [sflag:s23], $0x1F40  }
0x54: {  	[sflag:s23] =	ssyncset.done $0x0  }
0x55: {  	s18 =	sadd.s32 $0x280, s16;
	[sflag:s23] =	ssyncadd.s32 $0xFFFFE0C0  }
0x56: {  	[tilespmem:s15], [sflag:$0x2] =	stream.indirect.gather [hbm4b:s3+s12], $0x40, s18, s12, $0xb8;
	[tilespmem:$0x16B00] =	vst v63  }
0x57: {  	_ =	swait.ge [sflag:s24], $0x1F40  }
0x58: {  	[sflag:s24] =	ssyncset.done $0x0  }
0x59: {  	s18 =	sadd.s32 $0x2900, s16;
	[sflag:s24] =	ssyncadd.s32 $0xFFFFE0C0  }
0x5a: {  	[spmem:s1] =	stream.indirect.scatter.add.f32 [tilespmem:s17], [sflag:$0x7], $0x40, s18, s12, $0xb8;
	[tilespmem:$0x16B00] =	vst v63  }
0x5b: {  	_ =	swait.ge [sflag:s25], $0x1F40  }
0x5c: {  	[sflag:s25] =	ssyncset.done $0x0  }
0x5d: {  	s18 =	sadd.s32 $0x300, s16;
	[sflag:s25] =	ssyncadd.s32 $0xFFFFE0C0  }
0x5e: {  	[tilespmem:s17], [sflag:$0x3] =	stream.indirect.gather [hbm4b:s3+s12], $0x40, s18, s12, $0xb8;
	[tilespmem:$0x16B00] =	vst v63  }
0x5f: {  	_ =	swait.ge [sflag:s26], $0x1F40  }
0x60: {  	[sflag:s26] =	ssyncset.done $0x0  }
.Ltmp0:
0x61: {  	s18 =	sadd.s32 $0x2980, s16;
	[sflag:s26] =	ssyncadd.s32 $0xFFFFE0C0;
	(pc) =	sbr.rel @p1 .LBB2_2-.Ltmp0, $4  }
0x62: {  	[spmem:s1] =	stream.indirect.scatter.add.f32 [tilespmem:s19], [sflag:$0x8], $0x40, s18, s12, $0xb8;
	[tilespmem:$0x16B00] =	vst v63  }
0x63: {  	_ =	swait.ge [sflag:s28], $0x1F40  }
0x64: {  	[sflag:s28] =	ssyncset.done $0x0  }
0x65: {  	s16 =	sadd.s32 $0x380, s16;
	[sflag:s28] =	ssyncadd.s32 $0xFFFFE0C0  }
0x66: {  	[tilespmem:s19], [sflag:$0x4] =	stream.indirect.gather [hbm4b:s3+s12], $0x40, s16, s12, $0xb8;
	[tilespmem:$0x16B00] =	vst v63  }
0x67: {  	_ =	swait.ge [sflag:s20], $0x1F40  }
0x68: {  	[sflag:s20] =	ssyncset.done $0x0  }
0x69: {  	[sflag:s20] =	ssyncadd.s32 $0xFFFFE0C0  }
0x6a: {  	[spmem:s1] =	stream.indirect.scatter.add.f32 [tilespmem:s13], [sflag:$0x5], $0x40, s29, s12, $0xb8;
	[tilespmem:$0x16B00] =	vst v63  }
0x6b: {  	_ =	swait.ge [sflag:s21], $0x1F40  }
0x6c: {  	[sflag:s21] =	ssyncset.done $0x0  }
0x6d: {  	[sflag:s21] =	ssyncadd.s32 $0xFFFFE0C0  }
0x6e: {  	_ =	swait.ge [sflag:s22], $0x1F40  }
0x6f: {  	[sflag:s22] =	ssyncset.done $0x0  }
0x70: {  	[sflag:s22] =	ssyncadd.s32 $0xFFFFE0C0  }
0x71: {  	[spmem:s1] =	stream.indirect.scatter.add.f32 [tilespmem:s15], [sflag:$0x6], $0x40, s30, s12, $0xb8;
	[tilespmem:$0x16B00] =	vst v63  }
0x72: {  	_ =	swait.ge [sflag:s23], $0x1F40  }
0x73: {  	[sflag:s23] =	ssyncset.done $0x0  }
0x74: {  	[sflag:s23] =	ssyncadd.s32 $0xFFFFE0C0  }
0x75: {  	_ =	swait.ge [sflag:s24], $0x1F40  }
0x76: {  	[sflag:s24] =	ssyncset.done $0x0  }
0x77: {  	[sflag:s24] =	ssyncadd.s32 $0xFFFFE0C0  }
0x78: {  	[spmem:s1] =	stream.indirect.scatter.add.f32 [tilespmem:s17], [sflag:$0x7], $0x40, s31, s12, $0xb8;
	[tilespmem:$0x16B00] =	vst v63  }
0x79: {  	_ =	swait.ge [sflag:s25], $0x1F40  }
0x7a: {  	[sflag:s25] =	ssyncset.done $0x0  }
0x7b: {  	[sflag:s25] =	ssyncadd.s32 $0xFFFFE0C0  }
0x7c: {  	_ =	swait.ge [sflag:s26], $0x1F40  }
0x7d: {  	[sflag:s26] =	ssyncset.done $0x0  }
0x7e: {  	[sflag:s26] =	ssyncadd.s32 $0xFFFFE0C0  }
0x7f: {  	[spmem:s1] =	stream.indirect.scatter.add.f32 [tilespmem:s19], [sflag:$0x8], $0x40, s0, s12, $0xb8;
	[tilespmem:$0x16B00] =	vst v63  }
0x80: {  	_ =	swait.ge [sflag:s28], $0x1F40  }
0x81: {  	[sflag:s28] =	ssyncset.done $0x0  }
0x82: {  	s10 =	sadd.s32 $0x1, s10;
	[sflag:s28] =	ssyncadd.s32 $0xFFFFE0C0  }
0x83: {  	s14 =	simm.s32 @!p0 $0x1C09;
	p1 =	sne.s32 s10, s7;
	[bflag:$0x0] =	sbarrier.arrive $0xFFFF  }
0x84: {  	[hbm:s6], [sflag:s14] =	dma.local @!p0 [spmem:s11], $0x13C00  }
.Ltmp1:
0x85: {  	_ = 	snop;
	(pc) =	sbr.rel @p1 .LBB2_1-.Ltmp1, $4  }
0x86: {  	s14 =	simm.s32 @!p0 $0x9  }
0x87: {  	_ =	swait.ge @!p0 [sflag:s14], $0x13C00  }
0x88: {  	[sflag:s14] =	ssyncset.done @!p0 $0x0  }
0x89: {  	[sflag:s14] =	ssyncadd.s32 @!p0 $0xFFFEC400  }
0x8a: {  	_ =	sfence.sel $0x180000  }
0x8b: {  	[bflag:$0x0] =	sbarrier.arrive $0xFFFF  }
0x8c: {  	_ =	strace $0x9000004D  }
0x8d: {  	[bflag:$0x2] =	sbarrier.arrive $0xFFFF  }
0x8e: {  	s0 =	rddreg [dreg:$0x2]  }
0x8f: {  	s0 =	sadd.s32 @!p0 $0x100000, s0  }
0x90: {  	[sflag:s0] =	ssyncadd.tile.s32 @!p0 $0x1;
	_ =	shalt  }
.Lfunc_end2:
_tile_overlayer_lowered:
.L_overlay_start_2:
0x91: {  	(tag) =	ssettag $0x2  }
0x92: {  	s0 =	rddreg [dreg:$0x0];
	s2 =	stileid.u32  }
0x93: {  	s1 =	rddreg [dreg:$0x1];
	p0 =	sne.s32 s2, $0x0  }
0x94: {  	s3 =	rddreg [dreg:$0x2];
	[bflag:$0x3] =	sbarrier.arrive $0xFFFF;
	s2 =	simm.s32 @!p0 $0x1C09  }
0x95: {  	[timem:s3], [sflag:s2] =	dma.local @!p0 [hbm:s0], s1  }
0x96: {  	s0 =	simm.s32 @!p0 $0x9  }
0x97: {  	_ =	swait.ge @!p0 [sflag:s0], s1  }
0x98: {  	s1 =	ssub.s32 @!p0 $0x0, s1;
	[sflag:s0] =	ssyncset.done @!p0 $0x0  }
0x99: {  	[sflag:s0] =	ssyncadd.s32 @!p0 s1  }
0x9a: {  	[bflag:$0x3] =	sbarrier.arrive $0xFFFF  }
0x9b: {  	_ =	shalt  }

// kernel: kernel.9.cloned.1.call-start
scs
__scs_entry_jumppad:
0x0: {  	(pc) =	sbr.rel $0x88, $3  }
0x1: {  	(tag) =	ssettag $0x0;
	lr =	simm.s32 $0x1  }
0x2: {  	[smem:$0x3F99] =	sst lr;
	_ =	strace $0xD0000000  }
0x3: {  	_ = 	snop  }
0x4: {  	_ = 	snop  }
0x5: {  	_ = 	snop  }
0x6: {  	_ = 	snop  }
0x7: {  	_ = 	snop  }
__scs_overlays_trampoline_lowered:
0x8: {  	[smem:$0x3FA8] =	sst s0  }
0x9: {  	[smem:$0x3FA9] =	sst s1  }
0xa: {  	[smem:$0x3FAA] =	sst s2  }
0xb: {  	[smem:$0x3FAB] =	sst s3  }
0xc: {  	[smem:$0x3FAC] =	sst s4  }
0xd: {  	[smem:$0x3FAD] =	sst s5  }
0xe: {  	[smem:$0x3FAE] =	sst s6  }
0xf: {  	[smem:$0x3FAF] =	sst s7  }
0x10: {  	[smem:$0x3FB0] =	sst s8  }
0x11: {  	[smem:$0x3FB1] =	sst s9;
	s0 =	simm.s32 @!p0 $0x0  }
0x12: {  	s1 =	sld [smem:$0x3F97];
	s0 =	simm.s32 @p0 $0x1  }
0x13: {  	[smem:$0x3FB2] =	sst s0;
	s0 =	simm.s32 @!p1 $0x0  }
0x14: {  	s2 =	sld [smem:$0x3F96];
	s0 =	simm.s32 @p1 $0x1  }
0x15: {  	[smem:$0x3FB3] =	sst s0;
	s0 =	simm.s32 @!p2 $0x0  }
0x16: {  	s3 =	sld [smem:$0x3FDB];
	s0 =	simm.s32 @p2 $0x1  }
0x17: {  	s4 =	simm.s32 $0x1BF5;
	[smem:$0x3FB5] =	sst s0  }
0x18: {  	s0 =	sld [smem:$0x3F98];
	_ =	swait.ge [sflag:s4], $0x0  }
0x19: {  	s7 =	sld [smem:$0x3F99]  }
0x1a: {  	s8 =	sadd.s32 $0xFFFFE003, lr  }
0x1b: {  	s9 =	sadd.s32 $0xFFFFFEF7, lr;
	s5 =	simm.s32 $0xFFFFFFFF;
	p2 =	slt.u32 s8, $0xFFFFF086  }
0x1c: {  	p1 =	slt.u32 s9, $0xF7A;
	s5 =	simm.s32 @!p2 $0x0  }
0x1d: {  	s5 =	simm.s32 @p1 $0x1;
	p0 =	seq.s32 s7, s2  }
0x1e: {  	s7 =	smul.u32 @!p0 $0xF7A, s2;
	p2 =	seq.s32 @!p0 s5, $0x0  }
0x1f: {  	s9 =	smul.u32 $0xF7A, s1;
	s8 =	simm.s32 @!p0 $0x1BF5;
	p2 =	por !p2, p0  }
0x20: {  	[sflag:s8] =	ssyncset.s32 @!p0 $0xFFFFF086;
	s6 =	sadd.s32 @!p0 s3, s7;
	s7 =	simm.s32 @!p0 $0x108  }
0x21: {  	s3 =	sadd.s32 s3, s9;
	s6 =	sadd.s32 @!p0 $0x88, s6;
	s7 =	simm.s32 @p2 $0x1082  }
0x22: {  	[simem:s7], [sflag:s8] =	dma.local @!p0 [hbm:s6], $0xF7A  }
0x23: {  	s9 =	sor.u32 $0xD0000000, s2;
	s6 =	simm.s32 $0x108;
	_ =	swait.ge @!p0 [sflag:s8], $0x0  }
0x24: {  	s3 =	sadd.s32 $0x88, s3;
	s6 =	simm.s32 @!p1 $0x1082;
	[sflag:s4] =	ssyncset.s32 $0xFFFFF086  }
0x25: {  	[simem:s6], [sflag:s4] =	dma.local [hbm:s3], $0xF7A  }
0x26: {  	[smem:$0x3F99] =	sst s1;
	(tag) =	ssettag s2;
	_ =	strace s9  }
0x27: {  	s1 =	sld [smem:$0x3FA9]  }
0x28: {  	s2 =	sld [smem:$0x3FAA]  }
0x29: {  	s4 =	sld [smem:$0x3FAC]  }
0x2a: {  	p0 =	seq.s32 s5, $0x0;
	s5 =	sld [smem:$0x3FAD]  }
0x2b: {  	s6 =	sld [smem:$0x3FAE]  }
0x2c: {  	s7 =	sld [smem:$0x3FAF]  }
0x2d: {  	s3 =	simm.s32 $0x108;
	s8 =	sld [smem:$0x3FB0]  }
0x2e: {  	s3 =	simm.s32 @!p0 $0x1082;
	s9 =	sld [smem:$0x3FB1]  }
0x2f: {  	lr =	sadd.s32 s0, s3;
	s0 =	sld [smem:$0x3FA8]  }
0x30: {  	s3 =	sld [smem:$0x3FAB]  }
0x31: {  	[smem:$0x3FB4] =	sst s10  }
0x32: {  	s10 =	sld [smem:$0x3FB2];
	_ =	sdelay $0x3  }
0x33: {  	p0 =	seq.s32 s10, $0x1;
	s10 =	sld [smem:$0x3FB4];
	_ =	sdelay $0x3  }
0x34: {  	[smem:$0x3FB4] =	sst s10  }
0x35: {  	s10 =	sld [smem:$0x3FB3];
	_ =	sdelay $0x3  }
0x36: {  	p1 =	seq.s32 s10, $0x1;
	s10 =	sld [smem:$0x3FB4];
	_ =	sdelay $0x3  }
0x37: {  	[smem:$0x3FB4] =	sst s10  }
0x38: {  	s10 =	sld [smem:$0x3FB5]  }
0x39: {  	_ = 	snop;
	(pc) =	sbr.ind lr, $3  }
0x3a: {  	_ = 	snop  }
0x3b: {  	_ = 	snop  }
0x3c: {  	p2 =	seq.s32 s10, $0x1;
	s10 =	sld [smem:$0x3FB4]  }
0x3d: {  	_ =	shalt  }
0x3e: {  	_ =	shalt  }
0x3f: {  	_ =	shalt  }
0x40: {  	_ =	shalt  }
0x41: {  	_ =	shalt  }
0x42: {  	_ =	shalt  }
0x43: {  	_ =	shalt  }
0x44: {  	_ =	shalt  }
0x45: {  	_ =	shalt  }
0x46: {  	_ =	shalt  }
0x47: {  	_ =	shalt  }
0x48: {  	_ =	shalt  }
0x49: {  	_ =	shalt  }
0x4a: {  	_ =	shalt  }
0x4b: {  	_ =	shalt  }
0x4c: {  	_ =	shalt  }
0x4d: {  	_ =	shalt  }
0x4e: {  	_ =	shalt  }
0x4f: {  	_ =	shalt  }
0x50: {  	_ =	shalt  }
0x51: {  	_ =	shalt  }
0x52: {  	_ =	shalt  }
0x53: {  	_ =	shalt  }
0x54: {  	_ =	shalt  }
0x55: {  	_ =	shalt  }
0x56: {  	_ =	shalt  }
0x57: {  	_ =	shalt  }
0x58: {  	_ =	shalt  }
0x59: {  	_ =	shalt  }
0x5a: {  	_ =	shalt  }
0x5b: {  	_ =	shalt  }
0x5c: {  	_ =	shalt  }
0x5d: {  	_ =	shalt  }
0x5e: {  	_ =	shalt  }
0x5f: {  	_ =	shalt  }
0x60: {  	_ =	shalt  }
0x61: {  	_ =	shalt  }
0x62: {  	_ =	shalt  }
0x63: {  	_ =	shalt  }
0x64: {  	_ =	shalt  }
0x65: {  	_ =	shalt  }
0x66: {  	_ =	shalt  }
0x67: {  	_ =	shalt  }
0x68: {  	_ =	shalt  }
0x69: {  	_ =	shalt  }
0x6a: {  	_ =	shalt  }
0x6b: {  	_ =	shalt  }
0x6c: {  	_ =	shalt  }
0x6d: {  	_ =	shalt  }
0x6e: {  	_ =	shalt  }
0x6f: {  	_ =	shalt  }
0x70: {  	_ =	shalt  }
0x71: {  	_ =	shalt  }
0x72: {  	_ =	shalt  }
0x73: {  	_ =	shalt  }
0x74: {  	_ =	shalt  }
0x75: {  	_ =	shalt  }
0x76: {  	_ =	shalt  }
0x77: {  	_ =	shalt  }
0x78: {  	_ =	shalt  }
0x79: {  	_ =	shalt  }
0x7a: {  	_ =	shalt  }
0x7b: {  	_ =	shalt  }
0x7c: {  	_ =	shalt  }
0x7d: {  	_ =	shalt  }
0x7e: {  	_ =	shalt  }
0x7f: {  	_ =	shalt  }
0x80: {  	_ =	shalt  }
0x81: {  	_ =	shalt  }
0x82: {  	_ =	shalt  }
0x83: {  	_ =	shalt  }
0x84: {  	_ =	shalt  }
0x85: {  	_ =	shalt  }
0x86: {  	_ =	shalt  }
0x87: {  	_ =	shalt  }
.Lfunc_end0:
.L_simem_size_0:
called_computation_lowered:
.L_overlay_start_0:
0x88: {  	s2 =	sld [smem:$0x3FD9]  }
0x89: {  	s3 =	sld [smem:$0x3FFE];
	_ =	sdelay $0x1  }
0x8a: {  	s1 =	srdreg.scid  }
0x8b: {  	s0 =	sand.u32 $0x1, s1  }
0x8c: {  	s16 =	sshll.u32 s0, $0xA;
	s2 =	sadd.s32 s3, s2  }
0x8d: {  	s2 =	sadd.s32 s2, s16  }
0x8e: {  	[smem:$0x3FC0] =	sst s2  }
0x8f: {  	_ = 	snop  }
0x90: {  	(tm) =	ssettm $0x1  }
0x91: {  	s17 =	sld [smem:$0x3FFB];
	_ =	sdelay $0x3  }
0x92: {  	_ =	strace s17  }
0x93: {  	s2 =	sld [smem:$0x3FFC];
	_ =	sdelay $0x3  }
0x94: {  	_ =	strace s2  }
0x95: {  	s2 =	sld [smem:$0x3FFD];
	_ =	sdelay $0x3  }
0x96: {  	_ =	strace s2  }
0x97: {  	_ =	strace $0x8FFFFFFF  }
0x98: {  	s18 =	sld [smem:$0x3FDB];
	_ =	sdelay $0x1  }
0x99: {  	s19 =	simm.s32 $_scs_section_size  }
0x9a: {  	s4 =	simm.s32 $_size__tile_overlayer_lowered;
	s5 =	simm.s32 $_tile_overlayer_lowered  }
0x9b: {  	s22 =	simm.s32 $0x1BFF;
	s21 =	sshll.u32 s5, $0x1;
	s2 =	sadd.s32 s19, s18  }
0x9c: {  	s6 =	simm.s32 $0x0;
	s20 =	sshll.u32 s4, $0x1;
	s4 =	sadd.s32 s21, s2  }
0x9d: {  	[timem:s6], [sflag:s22] =	dma.local [hbm:s4], s20  }
0x9e: {  	_ =	swait.ge [sflag:s22], s20  }
0x9f: {  	s3 =	ssub.s32 $0x0, s20;
	[sflag:s22] =	ssyncset.done $0x0  }
0xa0: {  	[sflag:s22] =	ssyncadd.s32 s3;
	_ =	sdelay $0x1  }
0xa1: {  	s23 =	simm.s32 $0x1B8B  }
0xa2: {  	_ =	swait.ge [sflag:s23], $0x1  }
0xa3: {  	[sflag:s23] =	ssyncset.done $0x0  }
0xa4: {  	s25 =	simm.s32 $0x1B8E;
	s24 =	sld [smem:$0x3FFE];
	[sflag:s23] =	ssyncadd.s32 $0xFFFFFFFF  }
0xa5: {  	s26 =	simm.s32 $execute0_lowered;
	[smem:$0x3FD2] =	sst s25  }
0xa6: {  	s4 =	sshll.u32 s26, $0x1;
	_ =	strace $0x80000046;
	[dreg:$0x1] =	wrdreg $0xFFFFFFFF  }
0xa7: {  	s28 =	simm.s32 $_size_execute0_lowered;
	s2 =	sadd.s32 s2, s4;
	[dreg:$0x0] =	wrdreg $0x0  }
0xa8: {  	s4 =	sshll.u32 s28, $0x1;
	[dreg:$0x2] =	wrdreg s2  }
0xa9: {  	[dreg:$0x3] =	wrdreg s4  }
0xaa: {  	[dreg:$0x4] =	wrdreg $0xC0  }
0xab: {  	_ =	task [dreg:s6], $0x5FFFF  }
0xac: {  	[dreg:$0x1] =	wrdreg $0xFFFFFFFF  }
0xad: {  	[dreg:$0x0] =	wrdreg $0x60  }
0xae: {  	[dreg:$0x2] =	wrdreg s24  }
0xaf: {  	[dreg:$0x3] =	wrdreg $0x68000  }
0xb0: {  	[dreg:$0x4] =	wrdreg $0x9  }
0xb1: {  	_ =	task.clear_ibuf [dreg:s6], $0x5FFFF;
	_ =	strace $0x90000046  }
0xb2: {  	s29 =	simm.s32 $0x9;
	_ =	strace $0x80000048  }
0xb3: {  	_ =	swait.ge [sflag:s29], $0x1  }
0xb4: {  	[sflag:s29] =	ssyncadd.s32 $0xFFFFFFFF  }
0xb5: {  	_ =	strace $0x90000048  }
0xb6: {  	_ =	sfence  }
0xb7: {  	s30 =	sld [smem:$0x0];
	_ =	sdelay $0x2  }
0xb8: {  	s31 =	sshll.u32 s1, $0xD;
	s1 =	sshrl.u32 s1, $0x2  }
0xb9: {  	s3 =	sand.u32 $0x4000, s31;
	s1 =	sadd.s32 s1, s30  }
0xba: {  	s0 =	sor.u32 s3, s0;
	s1 =	sshll.u32 s1, $0x11  }
0xbb: {  	s0 =	sor.u32 s1, s0  }
0xbc: {  	s0 =	sadd.s32 $0x8F2B, s0  }
0xbd: {  	[sflag:s0] =	ssyncadd.remote.s32 $0x1  }
0xbe: {  	_ =	sfence.sel $0xFFFF  }
0xbf: {  	[dreg:$0x0] =	wrdreg $0xFFFFFFFF;
	(pc) =	sbr.abs _section_cstart, $3  }
0xc0: {  	[dreg:$0x1] =	wrdreg $0xFFFFFFFF  }
0xc1: {  	_ =	task.clear_ibuf [dreg:s6], $0x2FFFF;
	_ =	strace $0x9FFFFFFF  }
0xc2: {  	(tm) =	ssettm $0x7FFFFFFF  }
0xc3: {  	_ =	shalt  }
tec
execute0_lowered:
.L_overlay_start_1:
0x0: {  	(tag) =	ssettag $0x1  }
0x1: {  	s5 =	rddreg [dreg:$0x0]  }
0x2: {  	s0 =	srdreg.scid;
	s1 =	rddreg [dreg:$0x1]  }
0x3: {  	s8 =	stileid.u32;
	s2 =	simm.s32 $0x0;
	s11 =	simm.s32 $0x7D  }
0x4: {  	s12 =	simm.s32 $0x1;
	s3 =	sand.u32 $0x1, s0;
	s0 =	rddreg [dreg:$0x2]  }
0x5: {  	s13 =	simm.s32 $0x0;
	[smem:$0x7FF] =	sst s2;
	s4 =	sshll.u32 s3, $0x4  }
0x6: {  	p0 =	sne.s32 s8, $0x0;
	s7 =	smul.u32 $0x27800, s3;
	s4 =	sor.u32 s8, s4  }
0x7: {  	_ =	strace $0x80000047;
	s9 =	ssub.s32 $0x2, s3;
	s4 =	smul.u32 $0x500, s4  }
0x8: {  	s3 =	sadd.s32 $0x3E200, s5;
	s10 =	sshrl.u32 s9, $0x1;
	s8 =	simm.s32 $0x2  }
0x9: {  	s7 =	sadd.s32 s7, s5;
	s9 =	ssub.s32 s9, s10;
	s6 =	sadd.s32 s4, s5  }
0xa: {  	s10 =	sshrl.u32 @!p0 s1, $0x3;
	s4 =	sadd.s32 $0x16A00, s5;
	s5 =	sadd.s32 $0xCA00, s6  }
0xb: {  	s6 =	sadd.s32 $0x3EA00, s7;
	s7 =	smax.u32 s9, $0x1;
	s9 =	simm.s32 $0x2800  }
.LBB2_1:
0xc: {  	[tilespmem:s2], [sflag:$0x2] =	stream.linear.gather [hbm4b:s5+s2], $0x2800, $0x38;
	[tilespmem:$0x7BC0] =	vst v63  }
0xd: {  	_ =	swait.ge [sflag:s8], $0x2800  }
0xe: {  	[sflag:s8] =	ssyncset.done $0x0  }
0xf: {  	[sflag:s8] =	ssyncadd.s32 $0xFFFFD800  }
0x10: {  	[tilespmem:s9], [sflag:$0x2] =	stream.linear.gather [hbm4b:s3+s2], $0x3E80, $0x38;
	[tilespmem:$0x7BC0] =	vst v63  }
0x11: {  	_ =	swait.ge [sflag:s8], $0x3E80  }
0x12: {  	[sflag:s8] =	ssyncset.done $0x0  }
0x13: {  	s14 =	simm.s32 @!p0 $0x1C02;
	[sflag:s8] =	ssyncadd.s32 $0xFFFFC180  }
0x14: {  	[spmem:s10], [sflag:s14] =	dma.local @!p0 [hbm:s4], $0x27800  }
0x15: {  	s14 =	simm.s32 @!p0 $0x2  }
0x16: {  	_ =	swait.ge @!p0 [sflag:s14], $0x27800  }
0x17: {  	[sflag:s14] =	ssyncset.done @!p0 $0x0  }
0x18: {  	p1 =	por $0x1, $0x1;
	[sflag:s14] =	ssyncadd.s32 @!p0 $0xFFFD8800  }
0x19: {  	s16 =	simm.s32 @!p1 $0x1;
	[bflag:$0x0] =	sbarrier.arrive $0xFFFF  }
0x1a: {  	[spmem:s1] =	stream.indirect.scatter.add.f32 [tilespmem:s9], [sflag:$0x1], $0x8, s2, s11, $0xb8;
	[tilespmem:$0x7BC0] =	vst v63  }
0x1b: {  	_ =	swait.ge @!p1 [sflag:s16], $0x3E8  }
0x1c: {  	s15 =	simm.s32 $0x0;
	s14 =	simm.s32 $0x1;
	[sflag:s16] =	ssyncset.done @!p1 $0x0  }
.LBB2_2:
0x1d: {  	[sflag:s16] =	ssyncadd.s32 @!p1 $0xFFFFFC18  }
0x1e: {  	s15 =	sadd.s32 $0x80, s15;
	s16 =	smov.u32 s14;
	s14 =	sadd.s32 $0x1, s14  }
0x1f: {  	p2 =	sne.s32 s14, $0x50  }
0x20: {  	[spmem:s1] =	stream.indirect.scatter.add.f32 [tilespmem:s9], [sflag:$0x1], $0x8, s15, s11, $0xb8;
	[tilespmem:$0x7BC0] =	vst v63  }
.Ltmp0:
0x21: {  	_ = 	snop;
	(pc) =	sbr.rel @p2 .LBB2_2-.Ltmp0, $4  }
0x22: {  	p1 =	slt.u32 s16, $0x8  }
0x23: {  	s16 =	simm.s32 @!p1 $0x1  }
0x24: {  	_ =	swait.ge @!p1 [sflag:s16], $0x3E8  }
0x25: {  	[sflag:s16] =	ssyncset.done @!p1 $0x0  }
0x26: {  	[sflag:s16] =	ssyncadd.s32 @!p1 $0xFFFFFC18  }
0x27: {  	_ =	swait.ge [sflag:s12], $0x3E8  }
0x28: {  	[sflag:s12] =	ssyncset.done $0x0  }
0x29: {  	[sflag:s12] =	ssyncadd.s32 $0xFFFFFC18  }
0x2a: {  	_ =	swait.ge [sflag:s12], $0x3E8  }
0x2b: {  	[sflag:s12] =	ssyncset.done $0x0  }
0x2c: {  	[sflag:s12] =	ssyncadd.s32 $0xFFFFFC18  }
0x2d: {  	_ =	swait.ge [sflag:s12], $0x3E8  }
0x2e: {  	[sflag:s12] =	ssyncset.done $0x0  }
0x2f: {  	[sflag:s12] =	ssyncadd.s32 $0xFFFFFC18  }
0x30: {  	_ =	swait.ge [sflag:s12], $0x3E8  }
0x31: {  	[sflag:s12] =	ssyncset.done $0x0  }
0x32: {  	[sflag:s12] =	ssyncadd.s32 $0xFFFFFC18  }
0x33: {  	_ =	swait.ge [sflag:s12], $0x3E8  }
0x34: {  	[sflag:s12] =	ssyncset.done $0x0  }
0x35: {  	[sflag:s12] =	ssyncadd.s32 $0xFFFFFC18  }
0x36: {  	_ =	swait.ge [sflag:s12], $0x3E8  }
0x37: {  	[sflag:s12] =	ssyncset.done $0x0  }
0x38: {  	[sflag:s12] =	ssyncadd.s32 $0xFFFFFC18  }
0x39: {  	_ =	swait.ge [sflag:s12], $0x3E8  }
0x3a: {  	[sflag:s12] =	ssyncset.done $0x0  }
0x3b: {  	[sflag:s12] =	ssyncadd.s32 $0xFFFFFC18  }
0x3c: {  	_ =	swait.ge [sflag:s12], $0x3E8  }
0x3d: {  	[sflag:s12] =	ssyncset.done $0x0  }
0x3e: {  	s13 =	sadd.s32 $0x1, s13;
	[sflag:s12] =	ssyncadd.s32 $0xFFFFFC18  }
0x3f: {  	s14 =	simm.s32 @!p0 $0x1C02;
	p1 =	sne.s32 s13, s7;
	[bflag:$0x0] =	sbarrier.arrive $0xFFFF  }
0x40: {  	[hbm:s6], [sflag:s14] =	dma.local @!p0 [spmem:s10], $0x27800  }
.Ltmp1:
0x41: {  	_ = 	snop;
	(pc) =	sbr.rel @p1 .LBB2_1-.Ltmp1, $4  }
0x42: {  	s14 =	simm.s32 @!p0 $0x2  }
0x43: {  	_ =	swait.ge @!p0 [sflag:s14], $0x27800  }
0x44: {  	[sflag:s14] =	ssyncset.done @!p0 $0x0  }
0x45: {  	[sflag:s14] =	ssyncadd.s32 @!p0 $0xFFFD8800  }
0x46: {  	_ =	sfence.sel $0x180000  }
0x47: {  	[bflag:$0x0] =	sbarrier.arrive $0xFFFF  }
0x48: {  	_ =	strace $0x90000047  }
0x49: {  	s0 =	sadd.s32 @!p0 $0x100000, s0;
	[bflag:$0x2] =	sbarrier.arrive $0xFFFF  }
0x4a: {  	[sflag:s0] =	ssyncadd.tile.s32 @!p0 $0x1;
	_ =	shalt  }
.Lfunc_end2:
_tile_overlayer_lowered:
.L_overlay_start_2:
0x4b: {  	(tag) =	ssettag $0x2  }
0x4c: {  	s0 =	rddreg [dreg:$0x0];
	s2 =	stileid.u32  }
0x4d: {  	s1 =	rddreg [dreg:$0x1];
	p0 =	sne.s32 s2, $0x0  }
0x4e: {  	s3 =	rddreg [dreg:$0x2];
	[bflag:$0x3] =	sbarrier.arrive $0xFFFF;
	s2 =	simm.s32 @!p0 $0x1C02  }
0x4f: {  	[timem:s3], [sflag:s2] =	dma.local @!p0 [hbm:s0], s1  }
0x50: {  	s0 =	simm.s32 @!p0 $0x2  }
0x51: {  	_ =	swait.ge @!p0 [sflag:s0], s1  }
0x52: {  	s1 =	ssub.s32 @!p0 $0x0, s1;
	[sflag:s0] =	ssyncset.done @!p0 $0x0  }
0x53: {  	[sflag:s0] =	ssyncadd.s32 @!p0 s1  }
0x54: {  	[bflag:$0x3] =	sbarrier.arrive $0xFFFF  }
0x55: {  	_ =	shalt  }

</sc_bundles>
